<compile_context>
chip_gen: v7x
topology: tpu7x:2x2x1
jax: 0.10.2.dev20260603
libtpu: 0.0.44.dev20260713+nightly
codegen_flags: <defaults>
</compile_context>

<pallas_src>
import functools

import jax
import jax.numpy as jnp
from jax import lax
from jax.experimental import pallas as pl
from jax.experimental.pallas import tpu as pltpu
from jax.experimental.pallas import tpu_sc as plsc

N_NODES_ = 10000
N_EDGES_ = 160000
D_ = 256
DH_ = 128
N_TILES_ = 16
E_PER_TILE_ = N_EDGES_ // N_TILES_
CHUNK_ = 125
N_CHUNKS_ = E_PER_TILE_ // CHUNK_
OUTER_ = 2
IN_CH_ = N_CHUNKS_ // OUTER_
ROWS_A_ = 624
ROWS_B_ = 640


def _seg_sum_sc(hrows, src_r, dst_r, zrows):
    mesh = plsc.VectorSubcoreMesh(core_axis_name="c", subcore_axis_name="s")

    @functools.partial(
        pl.kernel,
        mesh=mesh,
        out_type=jax.ShapeDtypeStruct((2, N_NODES_, DH_), jnp.float32),
        scratch_types=[
            pltpu.VMEM((IN_CH_, CHUNK_), jnp.int32),
            pltpu.VMEM((IN_CH_, CHUNK_), jnp.int32),
            pltpu.VMEM((CHUNK_, DH_), jnp.float32),
            pltpu.VMEM((CHUNK_, DH_), jnp.float32),
            pltpu.VMEM_SHARED((N_NODES_, DH_), jnp.float32),
            pltpu.SemaphoreType.DMA,
            pltpu.SemaphoreType.DMA,
            pltpu.SemaphoreType.DMA,
            pltpu.SemaphoreType.DMA,
        ],
    )
    def seg_kernel(h_hbm, src_hbm, dst_hbm, z_hbm, out_hbm,
                   src_v, dst_v, rows0_v, rows1_v, acc,
                   sg0, sg1, ss0, ss1):
        c = lax.axis_index("c")
        s = lax.axis_index("s")

        def init_acc():
            @pl.when(s < N_TILES_ - 1)
            def _():
                pltpu.sync_copy(z_hbm.at[pl.ds(0, ROWS_A_)],
                                acc.at[pl.ds(s * ROWS_A_, ROWS_A_)])

            @pl.when(s == N_TILES_ - 1)
            def _():
                pltpu.sync_copy(z_hbm, acc.at[pl.ds(15 * ROWS_A_, ROWS_B_)])

        bufs = (rows0_v, rows1_v)
        gsems = (sg0, sg1)
        ssems = (ss0, ss1)

        def gather(j, i):
            pltpu.async_copy(h_hbm.at[src_v.at[j]], bufs[i], gsems[i])

        def gwait(i):
            pltpu.make_async_copy(h_hbm.at[src_v.at[0]], bufs[i],
                                  gsems[i]).wait()

        def ascat(j, i):
            pltpu.async_copy(bufs[i], acc.at[dst_v.at[j]], ssems[i], add=True)

        def swait(i):
            pltpu.make_async_copy(bufs[i], acc.at[dst_v.at[0]],
                                  ssems[i]).wait()

        pltpu.sync_copy(src_hbm.at[c, s, 0], src_v)
        pltpu.sync_copy(dst_hbm.at[s, 0], dst_v)
        gather(0, 0)
        init_acc()
        plsc.subcore_barrier()

        def outer(o, carry):
            @pl.when(o > 0)
            def _():
                pltpu.sync_copy(src_hbm.at[c, s, o], src_v)
                pltpu.sync_copy(dst_hbm.at[s, o], dst_v)
                gather(0, 0)
            gwait(0); ascat(0, 0); gather(1, 1)
            gwait(1); ascat(1, 1); swait(0); gather(2, 0)

            def steady(k, carry):
                j0 = 2 * k
                gwait(0); ascat(j0, 0); swait(1); gather(j0 + 1, 1)
                gwait(1); ascat(j0 + 1, 1); swait(0); gather(j0 + 2, 0)
                return carry

            lax.fori_loop(1, (IN_CH_ - 2) // 2, steady, 0)
            gwait(0); ascat(IN_CH_ - 2, 0); swait(1); gather(IN_CH_ - 1, 1)
            gwait(1); ascat(IN_CH_ - 1, 1); swait(0); swait(1)
            return carry

        lax.fori_loop(0, OUTER_, outer, 0)
        plsc.subcore_barrier()

        @pl.when(s < N_TILES_ - 1)
        def _():
            pltpu.sync_copy(acc.at[pl.ds(s * ROWS_A_, ROWS_A_)],
                            out_hbm.at[c, pl.ds(s * ROWS_A_, ROWS_A_)])

        @pl.when(s == N_TILES_ - 1)
        def _():
            pltpu.sync_copy(acc.at[pl.ds(15 * ROWS_A_, ROWS_B_)],
                            out_hbm.at[c, pl.ds(15 * ROWS_A_, ROWS_B_)])

    return seg_kernel(hrows, src_r, dst_r, zrows)


def _linear_tc(h2, W2, b2):
    BM = 2000

    def mm_kernel(h_ref, w_ref, b_ref, o_ref):
        dn = (((1,), (1,)), ((), ()))
        acc = lax.dot_general(h_ref[0], w_ref[0], dn,
                              preferred_element_type=jnp.float32)
        acc += lax.dot_general(h_ref[1], w_ref[1], dn,
                               preferred_element_type=jnp.float32)
        o_ref[...] = acc + b_ref[...]

    return pl.pallas_call(
        mm_kernel,
        grid=(N_NODES_ // BM,),
        in_specs=[
            pl.BlockSpec((2, BM, DH_), lambda i: (0, i, 0)),
            pl.BlockSpec((2, D_, DH_), lambda i: (0, 0, 0)),
            pl.BlockSpec((1, D_), lambda i: (0, 0)),
        ],
        out_specs=pl.BlockSpec((BM, D_), lambda i: (i, 0)),
        out_shape=jax.ShapeDtypeStruct((N_NODES_, D_), jnp.float32),
    )(h2, W2, b2)


def kernel(hidden, edge_index, W, b):
    src2 = 2 * edge_index[0].astype(jnp.int32)
    src = jnp.stack([src2, src2 + 1])
    src = src.reshape(2, N_TILES_, OUTER_, IN_CH_, CHUNK_)
    dst = edge_index[1].astype(jnp.int32).reshape(N_TILES_, OUTER_, IN_CH_, CHUNK_)
    hrows = hidden.reshape(2 * N_NODES_, DH_)
    zrows = jnp.zeros((ROWS_B_, DH_), jnp.float32)
    h2 = _seg_sum_sc(hrows, src, dst, zrows)
    W2 = jnp.stack([W[:, :DH_], W[:, DH_:]])
    return _linear_tc(h2, W2, b.reshape(1, D_))

# --- scband reference (transcript-rebuilt; emitter-appended) ---
"""Pipeline reference for scband-layer-76785425318237 (READ-ONLY COPY).

The authoritative reference and input builder live on the scoring server;
editing this copy changes nothing except your own understanding.
"""

import jax, jax.numpy as jnp
import numpy as np

N_NODES = 10000
N_EDGES = 160000
D_IN = 256
D_OUT = 256

def setup_inputs(seed: int = 0) -> dict:
    key = jax.random.key(seed)
    k1, k2, k3, k4 = jax.random.split(key, 4)
    hidden = jax.random.normal(k1, (N_NODES, D_IN), dtype=jnp.float32)
    edge_index = jax.random.randint(k2, (2, N_EDGES), 0, N_NODES, dtype=jnp.int64)
    # Linear(input_params, output_params) params, torch-style init
    bound = 1.0 / np.sqrt(D_IN)
    W = jax.random.uniform(k3, (D_OUT, D_IN), minval=-bound, maxval=bound, dtype=jnp.float32)
    b = jax.random.uniform(k4, (D_OUT,), minval=-bound, maxval=bound, dtype=jnp.float32)
    return {"hidden": hidden, "edge_index": edge_index, "W": W, "b": b}

def reference(hidden, edge_index, W, b):
    # DGL: copy_u('h','m') then sum('m','h') == scatter-add of src features onto dst nodes
    src = edge_index[0]
    dst = edge_index[1]
    msgs = jnp.take(hidden, src, axis=0)            # gather source node features per edge
    h = jax.ops.segment_sum(msgs, dst, num_segments=N_NODES)  # sum messages at dst
    # self.linear(h)
    return h @ W.T + b

if __name__ == "__main__":
    import jax
    _d = setup_inputs()
    print(jax.jit(kernel)(*tuple(_d.values())))

</pallas_src>

<mosaic_0001>
#map = affine_map<(d0, d1) -> (0, 0)>
#map1 = affine_map<(d0, d1) -> (0, 0, 0, 0, 0)>
#map2 = affine_map<(d0, d1) -> (0, 0, 0, 0)>
#map3 = affine_map<(d0, d1) -> (0, 0, 0)>
module attributes {stable_mosaic.version = 14 : i64} {
  func.func @seg_kernel(%arg0: i32, %arg1: i32, %arg2: memref<20000x128xf32, #tpu.memory_space<hbm>>, %arg3: memref<2x16x2x40x125xi32, #tpu.memory_space<hbm>>, %arg4: memref<16x2x40x125xi32, #tpu.memory_space<hbm>>, %arg5: memref<640x128xf32, #tpu.memory_space<hbm>>, %arg6: memref<2x10000x128xf32, #tpu.memory_space<hbm>>, %arg7: memref<40x125xi32, #tpu.memory_space<vmem>>, %arg8: memref<40x125xi32, #tpu.memory_space<vmem>>, %arg9: memref<125x128xf32, #tpu.memory_space<vmem>>, %arg10: memref<125x128xf32, #tpu.memory_space<vmem>>, %arg11: memref<10000x128xf32, #tpu.memory_space<vmem_shared>>, %arg12: memref<!tpu.dma_semaphore, #tpu.memory_space<semaphore_mem>>, %arg13: memref<!tpu.dma_semaphore, #tpu.memory_space<semaphore_mem>>, %arg14: memref<!tpu.dma_semaphore, #tpu.memory_space<semaphore_mem>>, %arg15: memref<!tpu.dma_semaphore, #tpu.memory_space<semaphore_mem>>) attributes {dimension_semantics = [#tpu.dimension_semantics<core_parallel>, #tpu.dimension_semantics<subcore_parallel>], iteration_bounds = array<i64: 2, 16>, scalar_prefetch = 0 : i64, scratch_operands = 9 : i64, tpu.core_type = #tpu.core_type<sc_vector_subcore>, window_params = [{transform_indices = #map}, {transform_indices = #map1}, {transform_indices = #map2}, {transform_indices = #map}, {transform_indices = #map3}]} {
    %run_scoped3A = arith.constant 0 : i32
    "tpu.region"() ({
      %run_scoped3A_29 = tpu.sem_alloc : memref<!tpu.dma_semaphore, #tpu.memory_space<semaphore_mem>>
      %dma_start3A_30 = arith.constant 0 : i32
      %dma_start3A_31 = arith.constant 0 : i32
      %dma_start3A_32 = tpu.memref_slice %arg3[%arg0, %arg1, %run_scoped3A, %dma_start3A_30, %dma_start3A_31] : memref<2x16x2x40x125xi32, #tpu.memory_space<hbm>> -> memref<1x1x1x40x125xi32, #tpu.memory_space<hbm>>
      %dma_start3A_33 = tpu.memref_squeeze %dma_start3A_32 : memref<1x1x1x40x125xi32, #tpu.memory_space<hbm>> -> memref<40x125xi32, #tpu.memory_space<hbm>>
      %dma_start3A_34 = arith.constant 0 : i32
      %dma_start3A_35 = arith.constant 0 : i32
      %dma_start3A_36 = tpu.memref_slice %arg3[%arg0, %arg1, %run_scoped3A, %dma_start3A_34, %dma_start3A_35] : memref<2x16x2x40x125xi32, #tpu.memory_space<hbm>> -> memref<1x1x1x40x125xi32, #tpu.memory_space<hbm>>
      %dma_start3A_37 = tpu.memref_squeeze %dma_start3A_36 : memref<1x1x1x40x125xi32, #tpu.memory_space<hbm>> -> memref<40x125xi32, #tpu.memory_space<hbm>>
      tpu.enqueue_dma source(%dma_start3A_37 : memref<40x125xi32, #tpu.memory_space<hbm>>) target(%arg7 : memref<40x125xi32, #tpu.memory_space<vmem>>) target_semaphore(%run_scoped3A_29 : memref<!tpu.dma_semaphore, #tpu.memory_space<semaphore_mem>>)
      %dma_wait3A = arith.constant 0 : i32
      %dma_wait3A_38 = arith.constant 0 : i32
      %dma_wait3A_39 = tpu.memref_slice %arg3[%arg0, %arg1, %run_scoped3A, %dma_wait3A, %dma_wait3A_38] : memref<2x16x2x40x125xi32, #tpu.memory_space<hbm>> -> memref<1x1x1x40x125xi32, #tpu.memory_space<hbm>>
      %dma_wait3A_40 = tpu.memref_squeeze %dma_wait3A_39 : memref<1x1x1x40x125xi32, #tpu.memory_space<hbm>> -> memref<40x125xi32, #tpu.memory_space<hbm>>
      %dma_wait3A_41 = arith.constant 0 : i32
      %dma_wait3A_42 = arith.constant 0 : i32
      %dma_wait3A_43 = tpu.memref_slice %arg3[%arg0, %arg1, %run_scoped3A, %dma_wait3A_41, %dma_wait3A_42] : memref<2x16x2x40x125xi32, #tpu.memory_space<hbm>> -> memref<1x1x1x40x125xi32, #tpu.memory_space<hbm>>
      %dma_wait3A_44 = tpu.memref_squeeze %dma_wait3A_43 : memref<1x1x1x40x125xi32, #tpu.memory_space<hbm>> -> memref<40x125xi32, #tpu.memory_space<hbm>>
      tpu.wait_dma2 semaphore(%run_scoped3A_29 : memref<!tpu.dma_semaphore, #tpu.memory_space<semaphore_mem>>) src(%dma_wait3A_44 : memref<40x125xi32, #tpu.memory_space<hbm>>) dst(%arg7 : memref<40x125xi32, #tpu.memory_space<vmem>>)
      tpu.yield
    }) : () -> ()
    %run_scoped3A_0 = arith.constant 0 : i32
    "tpu.region"() ({
      %run_scoped3A_29 = tpu.sem_alloc : memref<!tpu.dma_semaphore, #tpu.memory_space<semaphore_mem>>
      %dma_start3A_30 = arith.constant 0 : i32
      %dma_start3A_31 = arith.constant 0 : i32
      %dma_start3A_32 = tpu.memref_slice %arg4[%arg1, %run_scoped3A_0, %dma_start3A_30, %dma_start3A_31] : memref<16x2x40x125xi32, #tpu.memory_space<hbm>> -> memref<1x1x40x125xi32, #tpu.memory_space<hbm>>
      %dma_start3A_33 = tpu.memref_squeeze %dma_start3A_32 : memref<1x1x40x125xi32, #tpu.memory_space<hbm>> -> memref<40x125xi32, #tpu.memory_space<hbm>>
      %dma_start3A_34 = arith.constant 0 : i32
      %dma_start3A_35 = arith.constant 0 : i32
      %dma_start3A_36 = tpu.memref_slice %arg4[%arg1, %run_scoped3A_0, %dma_start3A_34, %dma_start3A_35] : memref<16x2x40x125xi32, #tpu.memory_space<hbm>> -> memref<1x1x40x125xi32, #tpu.memory_space<hbm>>
      %dma_start3A_37 = tpu.memref_squeeze %dma_start3A_36 : memref<1x1x40x125xi32, #tpu.memory_space<hbm>> -> memref<40x125xi32, #tpu.memory_space<hbm>>
      tpu.enqueue_dma source(%dma_start3A_37 : memref<40x125xi32, #tpu.memory_space<hbm>>) target(%arg8 : memref<40x125xi32, #tpu.memory_space<vmem>>) target_semaphore(%run_scoped3A_29 : memref<!tpu.dma_semaphore, #tpu.memory_space<semaphore_mem>>)
      %dma_wait3A = arith.constant 0 : i32
      %dma_wait3A_38 = arith.constant 0 : i32
      %dma_wait3A_39 = tpu.memref_slice %arg4[%arg1, %run_scoped3A_0, %dma_wait3A, %dma_wait3A_38] : memref<16x2x40x125xi32, #tpu.memory_space<hbm>> -> memref<1x1x40x125xi32, #tpu.memory_space<hbm>>
      %dma_wait3A_40 = tpu.memref_squeeze %dma_wait3A_39 : memref<1x1x40x125xi32, #tpu.memory_space<hbm>> -> memref<40x125xi32, #tpu.memory_space<hbm>>
      %dma_wait3A_41 = arith.constant 0 : i32
      %dma_wait3A_42 = arith.constant 0 : i32
      %dma_wait3A_43 = tpu.memref_slice %arg4[%arg1, %run_scoped3A_0, %dma_wait3A_41, %dma_wait3A_42] : memref<16x2x40x125xi32, #tpu.memory_space<hbm>> -> memref<1x1x40x125xi32, #tpu.memory_space<hbm>>
      %dma_wait3A_44 = tpu.memref_squeeze %dma_wait3A_43 : memref<1x1x40x125xi32, #tpu.memory_space<hbm>> -> memref<40x125xi32, #tpu.memory_space<hbm>>
      tpu.wait_dma2 semaphore(%run_scoped3A_29 : memref<!tpu.dma_semaphore, #tpu.memory_space<semaphore_mem>>) src(%dma_wait3A_44 : memref<40x125xi32, #tpu.memory_space<hbm>>) dst(%arg8 : memref<40x125xi32, #tpu.memory_space<vmem>>)
      tpu.yield
    }) : () -> ()
    %dma_start3A = arith.constant 0 : i32
    %dma_start3A_1 = arith.constant 0 : i32
    %dma_start3A_2 = tpu.memref_slice %arg7[%dma_start3A, %dma_start3A_1] : memref<40x125xi32, #tpu.memory_space<vmem>> -> memref<1x125xi32, #tpu.memory_space<vmem>>
    %dma_start3A_3 = tpu.memref_squeeze %dma_start3A_2 : memref<1x125xi32, #tpu.memory_space<vmem>> -> memref<125xi32, #tpu.memory_space<vmem>>
    %dma_start3A_4 = arith.constant 0 : i32
    %dma_start3A_5 = arith.constant 0 : i32
    %dma_start3A_6 = tpu.memref_slice %arg2[%dma_start3A_4, %dma_start3A_5] : memref<20000x128xf32, #tpu.memory_space<hbm>> -> memref<20000x128xf32, #tpu.memory_space<hbm>>
    tpu.enqueue_indirect_dma source(%dma_start3A_6 : memref<20000x128xf32, #tpu.memory_space<hbm>>) target(%arg9 : memref<125x128xf32, #tpu.memory_space<vmem>>) offsets(%dma_start3A_3 : memref<125xi32, #tpu.memory_space<vmem>>) semaphore(%arg12 : memref<!tpu.dma_semaphore, #tpu.memory_space<semaphore_mem>>)
    %lt3A = arith.constant 15 : i32
    %lt3A_7 = arith.cmpi slt, %arg1, %lt3A : i32
    %convert_element_type3A = arith.extui %lt3A_7 : i1 to i32
    %cond3A = arith.constant 0 : i32
    %cond3A_8 = arith.cmpi ne, %convert_element_type3A, %cond3A : i32
    scf.if %cond3A_8 {
      %mul3A = arith.constant 624 : i32
      %mul3A_29 = arith.muli %arg1, %mul3A : i32
      "tpu.region"() ({
        %run_scoped3A_30 = tpu.sem_alloc : memref<!tpu.dma_semaphore, #tpu.memory_space<semaphore_mem>>
        %dma_start3A_31 = arith.constant 0 : i32
        %dma_start3A_32 = tpu.memref_slice %arg11[%mul3A_29, %dma_start3A_31] : memref<10000x128xf32, #tpu.memory_space<vmem_shared>> -> memref<624x128xf32, #tpu.memory_space<vmem_shared>>
        %dma_start3A_33 = arith.constant 0 : i32
        %dma_start3A_34 = arith.constant 0 : i32
        %dma_start3A_35 = tpu.memref_slice %arg5[%dma_start3A_33, %dma_start3A_34] : memref<640x128xf32, #tpu.memory_space<hbm>> -> memref<624x128xf32, #tpu.memory_space<hbm>>
        tpu.enqueue_dma source(%dma_start3A_35 : memref<624x128xf32, #tpu.memory_space<hbm>>) target(%dma_start3A_32 : memref<624x128xf32, #tpu.memory_space<vmem_shared>>) target_semaphore(%run_scoped3A_30 : memref<!tpu.dma_semaphore, #tpu.memory_space<semaphore_mem>>)
        %dma_wait3A = arith.constant 0 : i32
        %dma_wait3A_36 = tpu.memref_slice %arg11[%mul3A_29, %dma_wait3A] : memref<10000x128xf32, #tpu.memory_space<vmem_shared>> -> memref<624x128xf32, #tpu.memory_space<vmem_shared>>
        %dma_wait3A_37 = arith.constant 0 : i32
        %dma_wait3A_38 = arith.constant 0 : i32
        %dma_wait3A_39 = tpu.memref_slice %arg5[%dma_wait3A_37, %dma_wait3A_38] : memref<640x128xf32, #tpu.memory_space<hbm>> -> memref<624x128xf32, #tpu.memory_space<hbm>>
        tpu.wait_dma2 semaphore(%run_scoped3A_30 : memref<!tpu.dma_semaphore, #tpu.memory_space<semaphore_mem>>) src(%dma_wait3A_39 : memref<624x128xf32, #tpu.memory_space<hbm>>) dst(%dma_wait3A_36 : memref<624x128xf32, #tpu.memory_space<vmem_shared>>)
        tpu.yield
      }) : () -> ()
    } else {
    }
    %eq3A = arith.constant 15 : i32
    %eq3A_9 = arith.cmpi eq, %arg1, %eq3A : i32
    %convert_element_type3A_10 = arith.extui %eq3A_9 : i1 to i32
    %cond3A_11 = arith.constant 0 : i32
    %cond3A_12 = arith.cmpi ne, %convert_element_type3A_10, %cond3A_11 : i32
    scf.if %cond3A_12 {
      "tpu.region"() ({
        %run_scoped3A_29 = tpu.sem_alloc : memref<!tpu.dma_semaphore, #tpu.memory_space<semaphore_mem>>
        %dma_start3A_30 = arith.constant 9360 : i32
        %dma_start3A_31 = arith.constant 0 : i32
        %dma_start3A_32 = tpu.memref_slice %arg11[%dma_start3A_30, %dma_start3A_31] : memref<10000x128xf32, #tpu.memory_space<vmem_shared>> -> memref<640x128xf32, #tpu.memory_space<vmem_shared>>
        tpu.enqueue_dma source(%arg5 : memref<640x128xf32, #tpu.memory_space<hbm>>) target(%dma_start3A_32 : memref<640x128xf32, #tpu.memory_space<vmem_shared>>) target_semaphore(%run_scoped3A_29 : memref<!tpu.dma_semaphore, #tpu.memory_space<semaphore_mem>>)
        %dma_wait3A = arith.constant 9360 : i32
        %dma_wait3A_33 = arith.constant 0 : i32
        %dma_wait3A_34 = tpu.memref_slice %arg11[%dma_wait3A, %dma_wait3A_33] : memref<10000x128xf32, #tpu.memory_space<vmem_shared>> -> memref<640x128xf32, #tpu.memory_space<vmem_shared>>
        tpu.wait_dma2 semaphore(%run_scoped3A_29 : memref<!tpu.dma_semaphore, #tpu.memory_space<semaphore_mem>>) src(%arg5 : memref<640x128xf32, #tpu.memory_space<hbm>>) dst(%dma_wait3A_34 : memref<640x128xf32, #tpu.memory_space<vmem_shared>>)
        tpu.yield
      }) : () -> ()
    } else {
    }
    %barrier3A = arith.constant 0 : index
    tpu.barrier barrier_id(%barrier3A)
    %scan3A = arith.constant 0 : i32
    %scan3A_13 = arith.constant 0 : i32
    %scan3A_14 = arith.constant 2 : i32
    %scan3A_15 = arith.addi %scan3A_13, %scan3A_14 : i32
    %scan3A_16 = arith.constant 1 : i32
    scf.for %scan3A_29 = %scan3A_13 to %scan3A_15 step %scan3A_16  : i32 {
      %gt3A = arith.constant 0 : i32
      %gt3A_30 = arith.cmpi sgt, %scan3A_29, %gt3A : i32
      %convert_element_type3A_31 = arith.extui %gt3A_30 : i1 to i32
      %cond3A_32 = arith.constant 0 : i32
      %cond3A_33 = arith.cmpi ne, %convert_element_type3A_31, %cond3A_32 : i32
      scf.if %cond3A_33 {
        "tpu.region"() ({
          %run_scoped3A_151 = tpu.sem_alloc : memref<!tpu.dma_semaphore, #tpu.memory_space<semaphore_mem>>
          %dma_start3A_152 = arith.constant 0 : i32
          %dma_start3A_153 = arith.constant 0 : i32
          %dma_start3A_154 = tpu.memref_slice %arg3[%arg0, %arg1, %scan3A_29, %dma_start3A_152, %dma_start3A_153] : memref<2x16x2x40x125xi32, #tpu.memory_space<hbm>> -> memref<1x1x1x40x125xi32, #tpu.memory_space<hbm>>
          %dma_start3A_155 = tpu.memref_squeeze %dma_start3A_154 : memref<1x1x1x40x125xi32, #tpu.memory_space<hbm>> -> memref<40x125xi32, #tpu.memory_space<hbm>>
          %dma_start3A_156 = arith.constant 0 : i32
          %dma_start3A_157 = arith.constant 0 : i32
          %dma_start3A_158 = tpu.memref_slice %arg3[%arg0, %arg1, %scan3A_29, %dma_start3A_156, %dma_start3A_157] : memref<2x16x2x40x125xi32, #tpu.memory_space<hbm>> -> memref<1x1x1x40x125xi32, #tpu.memory_space<hbm>>
          %dma_start3A_159 = tpu.memref_squeeze %dma_start3A_158 : memref<1x1x1x40x125xi32, #tpu.memory_space<hbm>> -> memref<40x125xi32, #tpu.memory_space<hbm>>
          tpu.enqueue_dma source(%dma_start3A_159 : memref<40x125xi32, #tpu.memory_space<hbm>>) target(%arg7 : memref<40x125xi32, #tpu.memory_space<vmem>>) target_semaphore(%run_scoped3A_151 : memref<!tpu.dma_semaphore, #tpu.memory_space<semaphore_mem>>)
          %dma_wait3A_160 = arith.constant 0 : i32
          %dma_wait3A_161 = arith.constant 0 : i32
          %dma_wait3A_162 = tpu.memref_slice %arg3[%arg0, %arg1, %scan3A_29, %dma_wait3A_160, %dma_wait3A_161] : memref<2x16x2x40x125xi32, #tpu.memory_space<hbm>> -> memref<1x1x1x40x125xi32, #tpu.memory_space<hbm>>
          %dma_wait3A_163 = tpu.memref_squeeze %dma_wait3A_162 : memref<1x1x1x40x125xi32, #tpu.memory_space<hbm>> -> memref<40x125xi32, #tpu.memory_space<hbm>>
          %dma_wait3A_164 = arith.constant 0 : i32
          %dma_wait3A_165 = arith.constant 0 : i32
          %dma_wait3A_166 = tpu.memref_slice %arg3[%arg0, %arg1, %scan3A_29, %dma_wait3A_164, %dma_wait3A_165] : memref<2x16x2x40x125xi32, #tpu.memory_space<hbm>> -> memref<1x1x1x40x125xi32, #tpu.memory_space<hbm>>
          %dma_wait3A_167 = tpu.memref_squeeze %dma_wait3A_166 : memref<1x1x1x40x125xi32, #tpu.memory_space<hbm>> -> memref<40x125xi32, #tpu.memory_space<hbm>>
          tpu.wait_dma2 semaphore(%run_scoped3A_151 : memref<!tpu.dma_semaphore, #tpu.memory_space<semaphore_mem>>) src(%dma_wait3A_167 : memref<40x125xi32, #tpu.memory_space<hbm>>) dst(%arg7 : memref<40x125xi32, #tpu.memory_space<vmem>>)
          tpu.yield
        }) : () -> ()
        "tpu.region"() ({
          %run_scoped3A_151 = tpu.sem_alloc : memref<!tpu.dma_semaphore, #tpu.memory_space<semaphore_mem>>
          %dma_start3A_152 = arith.constant 0 : i32
          %dma_start3A_153 = arith.constant 0 : i32
          %dma_start3A_154 = tpu.memref_slice %arg4[%arg1, %scan3A_29, %dma_start3A_152, %dma_start3A_153] : memref<16x2x40x125xi32, #tpu.memory_space<hbm>> -> memref<1x1x40x125xi32, #tpu.memory_space<hbm>>
          %dma_start3A_155 = tpu.memref_squeeze %dma_start3A_154 : memref<1x1x40x125xi32, #tpu.memory_space<hbm>> -> memref<40x125xi32, #tpu.memory_space<hbm>>
          %dma_start3A_156 = arith.constant 0 : i32
          %dma_start3A_157 = arith.constant 0 : i32
          %dma_start3A_158 = tpu.memref_slice %arg4[%arg1, %scan3A_29, %dma_start3A_156, %dma_start3A_157] : memref<16x2x40x125xi32, #tpu.memory_space<hbm>> -> memref<1x1x40x125xi32, #tpu.memory_space<hbm>>
          %dma_start3A_159 = tpu.memref_squeeze %dma_start3A_158 : memref<1x1x40x125xi32, #tpu.memory_space<hbm>> -> memref<40x125xi32, #tpu.memory_space<hbm>>
          tpu.enqueue_dma source(%dma_start3A_159 : memref<40x125xi32, #tpu.memory_space<hbm>>) target(%arg8 : memref<40x125xi32, #tpu.memory_space<vmem>>) target_semaphore(%run_scoped3A_151 : memref<!tpu.dma_semaphore, #tpu.memory_space<semaphore_mem>>)
          %dma_wait3A_160 = arith.constant 0 : i32
          %dma_wait3A_161 = arith.constant 0 : i32
          %dma_wait3A_162 = tpu.memref_slice %arg4[%arg1, %scan3A_29, %dma_wait3A_160, %dma_wait3A_161] : memref<16x2x40x125xi32, #tpu.memory_space<hbm>> -> memref<1x1x40x125xi32, #tpu.memory_space<hbm>>
          %dma_wait3A_163 = tpu.memref_squeeze %dma_wait3A_162 : memref<1x1x40x125xi32, #tpu.memory_space<hbm>> -> memref<40x125xi32, #tpu.memory_space<hbm>>
          %dma_wait3A_164 = arith.constant 0 : i32
          %dma_wait3A_165 = arith.constant 0 : i32
          %dma_wait3A_166 = tpu.memref_slice %arg4[%arg1, %scan3A_29, %dma_wait3A_164, %dma_wait3A_165] : memref<16x2x40x125xi32, #tpu.memory_space<hbm>> -> memref<1x1x40x125xi32, #tpu.memory_space<hbm>>
          %dma_wait3A_167 = tpu.memref_squeeze %dma_wait3A_166 : memref<1x1x40x125xi32, #tpu.memory_space<hbm>> -> memref<40x125xi32, #tpu.memory_space<hbm>>
          tpu.wait_dma2 semaphore(%run_scoped3A_151 : memref<!tpu.dma_semaphore, #tpu.memory_space<semaphore_mem>>) src(%dma_wait3A_167 : memref<40x125xi32, #tpu.memory_space<hbm>>) dst(%arg8 : memref<40x125xi32, #tpu.memory_space<vmem>>)
          tpu.yield
        }) : () -> ()
        %dma_start3A_144 = arith.constant 0 : i32
        %dma_start3A_145 = arith.constant 0 : i32
        %dma_start3A_146 = tpu.memref_slice %arg7[%dma_start3A_144, %dma_start3A_145] : memref<40x125xi32, #tpu.memory_space<vmem>> -> memref<1x125xi32, #tpu.memory_space<vmem>>
        %dma_start3A_147 = tpu.memref_squeeze %dma_start3A_146 : memref<1x125xi32, #tpu.memory_space<vmem>> -> memref<125xi32, #tpu.memory_space<vmem>>
        %dma_start3A_148 = arith.constant 0 : i32
        %dma_start3A_149 = arith.constant 0 : i32
        %dma_start3A_150 = tpu.memref_slice %arg2[%dma_start3A_148, %dma_start3A_149] : memref<20000x128xf32, #tpu.memory_space<hbm>> -> memref<20000x128xf32, #tpu.memory_space<hbm>>
        tpu.enqueue_indirect_dma source(%dma_start3A_150 : memref<20000x128xf32, #tpu.memory_space<hbm>>) target(%arg9 : memref<125x128xf32, #tpu.memory_space<vmem>>) offsets(%dma_start3A_147 : memref<125xi32, #tpu.memory_space<vmem>>) semaphore(%arg12 : memref<!tpu.dma_semaphore, #tpu.memory_space<semaphore_mem>>)
      } else {
      }
      %dma_wait3A = arith.constant 0 : i32
      %dma_wait3A_34 = arith.constant 0 : i32
      %dma_wait3A_35 = tpu.memref_slice %arg7[%dma_wait3A, %dma_wait3A_34] : memref<40x125xi32, #tpu.memory_space<vmem>> -> memref<1x125xi32, #tpu.memory_space<vmem>>
      %dma_wait3A_36 = tpu.memref_squeeze %dma_wait3A_35 : memref<1x125xi32, #tpu.memory_space<vmem>> -> memref<125xi32, #tpu.memory_space<vmem>>
      %dma_wait3A_37 = arith.constant 0 : i32
      %dma_wait3A_38 = arith.constant 0 : i32
      %dma_wait3A_39 = tpu.memref_slice %arg2[%dma_wait3A_37, %dma_wait3A_38] : memref<20000x128xf32, #tpu.memory_space<hbm>> -> memref<20000x128xf32, #tpu.memory_space<hbm>>
      tpu.wait_indirect_dma semaphore(%arg12 : memref<!tpu.dma_semaphore, #tpu.memory_space<semaphore_mem>>) src(%dma_wait3A_39 : memref<20000x128xf32, #tpu.memory_space<hbm>>) dst(%arg9 : memref<125x128xf32, #tpu.memory_space<vmem>>)
      %dma_start3A_40 = arith.constant 0 : i32
      %dma_start3A_41 = arith.constant 0 : i32
      %dma_start3A_42 = tpu.memref_slice %arg8[%dma_start3A_40, %dma_start3A_41] : memref<40x125xi32, #tpu.memory_space<vmem>> -> memref<1x125xi32, #tpu.memory_space<vmem>>
      %dma_start3A_43 = tpu.memref_squeeze %dma_start3A_42 : memref<1x125xi32, #tpu.memory_space<vmem>> -> memref<125xi32, #tpu.memory_space<vmem>>
      %dma_start3A_44 = arith.constant 0 : i32
      %dma_start3A_45 = arith.constant 0 : i32
      %dma_start3A_46 = tpu.memref_slice %arg11[%dma_start3A_44, %dma_start3A_45] : memref<10000x128xf32, #tpu.memory_space<vmem_shared>> -> memref<10000x128xf32, #tpu.memory_space<vmem_shared>>
      tpu.enqueue_indirect_dma source(%arg9 : memref<125x128xf32, #tpu.memory_space<vmem>>) target(%dma_start3A_46 : memref<10000x128xf32, #tpu.memory_space<vmem_shared>>) offsets(%dma_start3A_43 : memref<125xi32, #tpu.memory_space<vmem>>) semaphore(%arg14 : memref<!tpu.dma_semaphore, #tpu.memory_space<semaphore_mem>>) {add = true}
      %dma_start3A_47 = arith.constant 1 : i32
      %dma_start3A_48 = arith.constant 0 : i32
      %dma_start3A_49 = tpu.memref_slice %arg7[%dma_start3A_47, %dma_start3A_48] : memref<40x125xi32, #tpu.memory_space<vmem>> -> memref<1x125xi32, #tpu.memory_space<vmem>>
      %dma_start3A_50 = tpu.memref_squeeze %dma_start3A_49 : memref<1x125xi32, #tpu.memory_space<vmem>> -> memref<125xi32, #tpu.memory_space<vmem>>
      %dma_start3A_51 = arith.constant 0 : i32
      %dma_start3A_52 = arith.constant 0 : i32
      %dma_start3A_53 = tpu.memref_slice %arg2[%dma_start3A_51, %dma_start3A_52] : memref<20000x128xf32, #tpu.memory_space<hbm>> -> memref<20000x128xf32, #tpu.memory_space<hbm>>
      tpu.enqueue_indirect_dma source(%dma_start3A_53 : memref<20000x128xf32, #tpu.memory_space<hbm>>) target(%arg10 : memref<125x128xf32, #tpu.memory_space<vmem>>) offsets(%dma_start3A_50 : memref<125xi32, #tpu.memory_space<vmem>>) semaphore(%arg13 : memref<!tpu.dma_semaphore, #tpu.memory_space<semaphore_mem>>)
      %dma_wait3A_54 = arith.constant 0 : i32
      %dma_wait3A_55 = arith.constant 0 : i32
      %dma_wait3A_56 = tpu.memref_slice %arg7[%dma_wait3A_54, %dma_wait3A_55] : memref<40x125xi32, #tpu.memory_space<vmem>> -> memref<1x125xi32, #tpu.memory_space<vmem>>
      %dma_wait3A_57 = tpu.memref_squeeze %dma_wait3A_56 : memref<1x125xi32, #tpu.memory_space<vmem>> -> memref<125xi32, #tpu.memory_space<vmem>>
      %dma_wait3A_58 = arith.constant 0 : i32
      %dma_wait3A_59 = arith.constant 0 : i32
      %dma_wait3A_60 = tpu.memref_slice %arg2[%dma_wait3A_58, %dma_wait3A_59] : memref<20000x128xf32, #tpu.memory_space<hbm>> -> memref<20000x128xf32, #tpu.memory_space<hbm>>
      tpu.wait_indirect_dma semaphore(%arg13 : memref<!tpu.dma_semaphore, #tpu.memory_space<semaphore_mem>>) src(%dma_wait3A_60 : memref<20000x128xf32, #tpu.memory_space<hbm>>) dst(%arg10 : memref<125x128xf32, #tpu.memory_space<vmem>>)
      %dma_start3A_61 = arith.constant 1 : i32
      %dma_start3A_62 = arith.constant 0 : i32
      %dma_start3A_63 = tpu.memref_slice %arg8[%dma_start3A_61, %dma_start3A_62] : memref<40x125xi32, #tpu.memory_space<vmem>> -> memref<1x125xi32, #tpu.memory_space<vmem>>
      %dma_start3A_64 = tpu.memref_squeeze %dma_start3A_63 : memref<1x125xi32, #tpu.memory_space<vmem>> -> memref<125xi32, #tpu.memory_space<vmem>>
      %dma_start3A_65 = arith.constant 0 : i32
      %dma_start3A_66 = arith.constant 0 : i32
      %dma_start3A_67 = tpu.memref_slice %arg11[%dma_start3A_65, %dma_start3A_66] : memref<10000x128xf32, #tpu.memory_space<vmem_shared>> -> memref<10000x128xf32, #tpu.memory_space<vmem_shared>>
      tpu.enqueue_indirect_dma source(%arg10 : memref<125x128xf32, #tpu.memory_space<vmem>>) target(%dma_start3A_67 : memref<10000x128xf32, #tpu.memory_space<vmem_shared>>) offsets(%dma_start3A_64 : memref<125xi32, #tpu.memory_space<vmem>>) semaphore(%arg15 : memref<!tpu.dma_semaphore, #tpu.memory_space<semaphore_mem>>) {add = true}
      %dma_wait3A_68 = arith.constant 0 : i32
      %dma_wait3A_69 = arith.constant 0 : i32
      %dma_wait3A_70 = tpu.memref_slice %arg8[%dma_wait3A_68, %dma_wait3A_69] : memref<40x125xi32, #tpu.memory_space<vmem>> -> memref<1x125xi32, #tpu.memory_space<vmem>>
      %dma_wait3A_71 = tpu.memref_squeeze %dma_wait3A_70 : memref<1x125xi32, #tpu.memory_space<vmem>> -> memref<125xi32, #tpu.memory_space<vmem>>
      %dma_wait3A_72 = arith.constant 0 : i32
      %dma_wait3A_73 = arith.constant 0 : i32
      %dma_wait3A_74 = tpu.memref_slice %arg11[%dma_wait3A_72, %dma_wait3A_73] : memref<10000x128xf32, #tpu.memory_space<vmem_shared>> -> memref<10000x128xf32, #tpu.memory_space<vmem_shared>>
      tpu.wait_indirect_dma semaphore(%arg14 : memref<!tpu.dma_semaphore, #tpu.memory_space<semaphore_mem>>) src(%arg9 : memref<125x128xf32, #tpu.memory_space<vmem>>) dst(%dma_wait3A_74 : memref<10000x128xf32, #tpu.memory_space<vmem_shared>>)
      %dma_start3A_75 = arith.constant 2 : i32
      %dma_start3A_76 = arith.constant 0 : i32
      %dma_start3A_77 = tpu.memref_slice %arg7[%dma_start3A_75, %dma_start3A_76] : memref<40x125xi32, #tpu.memory_space<vmem>> -> memref<1x125xi32, #tpu.memory_space<vmem>>
      %dma_start3A_78 = tpu.memref_squeeze %dma_start3A_77 : memref<1x125xi32, #tpu.memory_space<vmem>> -> memref<125xi32, #tpu.memory_space<vmem>>
      %dma_start3A_79 = arith.constant 0 : i32
      %dma_start3A_80 = arith.constant 0 : i32
      %dma_start3A_81 = tpu.memref_slice %arg2[%dma_start3A_79, %dma_start3A_80] : memref<20000x128xf32, #tpu.memory_space<hbm>> -> memref<20000x128xf32, #tpu.memory_space<hbm>>
      tpu.enqueue_indirect_dma source(%dma_start3A_81 : memref<20000x128xf32, #tpu.memory_space<hbm>>) target(%arg9 : memref<125x128xf32, #tpu.memory_space<vmem>>) offsets(%dma_start3A_78 : memref<125xi32, #tpu.memory_space<vmem>>) semaphore(%arg12 : memref<!tpu.dma_semaphore, #tpu.memory_space<semaphore_mem>>)
      %scan3A_82 = arith.constant 0 : i32
      %scan3A_83 = arith.constant 1 : i32
      %scan3A_84 = arith.constant 18 : i32
      %scan3A_85 = arith.addi %scan3A_83, %scan3A_84 : i32
      %scan3A_86 = arith.constant 1 : i32
      scf.for %scan3A_144 = %scan3A_83 to %scan3A_85 step %scan3A_86  : i32 {
        %mul3A = arith.constant 2 : i32
        %mul3A_145 = arith.muli %mul3A, %scan3A_144 : i32
        %dma_wait3A_146 = arith.constant 0 : i32
        %dma_wait3A_147 = arith.constant 0 : i32
        %dma_wait3A_148 = tpu.memref_slice %arg7[%dma_wait3A_146, %dma_wait3A_147] : memref<40x125xi32, #tpu.memory_space<vmem>> -> memref<1x125xi32, #tpu.memory_space<vmem>>
        %dma_wait3A_149 = tpu.memref_squeeze %dma_wait3A_148 : memref<1x125xi32, #tpu.memory_space<vmem>> -> memref<125xi32, #tpu.memory_space<vmem>>
        %dma_wait3A_150 = arith.constant 0 : i32
        %dma_wait3A_151 = arith.constant 0 : i32
        %dma_wait3A_152 = tpu.memref_slice %arg2[%dma_wait3A_150, %dma_wait3A_151] : memref<20000x128xf32, #tpu.memory_space<hbm>> -> memref<20000x128xf32, #tpu.memory_space<hbm>>
        tpu.wait_indirect_dma semaphore(%arg12 : memref<!tpu.dma_semaphore, #tpu.memory_space<semaphore_mem>>) src(%dma_wait3A_152 : memref<20000x128xf32, #tpu.memory_space<hbm>>) dst(%arg9 : memref<125x128xf32, #tpu.memory_space<vmem>>)
        %dma_start3A_153 = arith.constant 0 : i32
        %dma_start3A_154 = tpu.memref_slice %arg8[%mul3A_145, %dma_start3A_153] : memref<40x125xi32, #tpu.memory_space<vmem>> -> memref<1x125xi32, #tpu.memory_space<vmem>>
        %dma_start3A_155 = tpu.memref_squeeze %dma_start3A_154 : memref<1x125xi32, #tpu.memory_space<vmem>> -> memref<125xi32, #tpu.memory_space<vmem>>
        %dma_start3A_156 = arith.constant 0 : i32
        %dma_start3A_157 = arith.constant 0 : i32
        %dma_start3A_158 = tpu.memref_slice %arg11[%dma_start3A_156, %dma_start3A_157] : memref<10000x128xf32, #tpu.memory_space<vmem_shared>> -> memref<10000x128xf32, #tpu.memory_space<vmem_shared>>
        tpu.enqueue_indirect_dma source(%arg9 : memref<125x128xf32, #tpu.memory_space<vmem>>) target(%dma_start3A_158 : memref<10000x128xf32, #tpu.memory_space<vmem_shared>>) offsets(%dma_start3A_155 : memref<125xi32, #tpu.memory_space<vmem>>) semaphore(%arg14 : memref<!tpu.dma_semaphore, #tpu.memory_space<semaphore_mem>>) {add = true}
        %dma_wait3A_159 = arith.constant 0 : i32
        %dma_wait3A_160 = arith.constant 0 : i32
        %dma_wait3A_161 = tpu.memref_slice %arg8[%dma_wait3A_159, %dma_wait3A_160] : memref<40x125xi32, #tpu.memory_space<vmem>> -> memref<1x125xi32, #tpu.memory_space<vmem>>
        %dma_wait3A_162 = tpu.memref_squeeze %dma_wait3A_161 : memref<1x125xi32, #tpu.memory_space<vmem>> -> memref<125xi32, #tpu.memory_space<vmem>>
        %dma_wait3A_163 = arith.constant 0 : i32
        %dma_wait3A_164 = arith.constant 0 : i32
        %dma_wait3A_165 = tpu.memref_slice %arg11[%dma_wait3A_163, %dma_wait3A_164] : memref<10000x128xf32, #tpu.memory_space<vmem_shared>> -> memref<10000x128xf32, #tpu.memory_space<vmem_shared>>
        tpu.wait_indirect_dma semaphore(%arg15 : memref<!tpu.dma_semaphore, #tpu.memory_space<semaphore_mem>>) src(%arg10 : memref<125x128xf32, #tpu.memory_space<vmem>>) dst(%dma_wait3A_165 : memref<10000x128xf32, #tpu.memory_space<vmem_shared>>)
        %add3A = arith.constant 1 : i32
        %add3A_166 = arith.addi %mul3A_145, %add3A : i32
        %dma_start3A_167 = arith.constant 0 : i32
        %dma_start3A_168 = tpu.memref_slice %arg7[%add3A_166, %dma_start3A_167] : memref<40x125xi32, #tpu.memory_space<vmem>> -> memref<1x125xi32, #tpu.memory_space<vmem>>
        %dma_start3A_169 = tpu.memref_squeeze %dma_start3A_168 : memref<1x125xi32, #tpu.memory_space<vmem>> -> memref<125xi32, #tpu.memory_space<vmem>>
        %dma_start3A_170 = arith.constant 0 : i32
        %dma_start3A_171 = arith.constant 0 : i32
        %dma_start3A_172 = tpu.memref_slice %arg2[%dma_start3A_170, %dma_start3A_171] : memref<20000x128xf32, #tpu.memory_space<hbm>> -> memref<20000x128xf32, #tpu.memory_space<hbm>>
        tpu.enqueue_indirect_dma source(%dma_start3A_172 : memref<20000x128xf32, #tpu.memory_space<hbm>>) target(%arg10 : memref<125x128xf32, #tpu.memory_space<vmem>>) offsets(%dma_start3A_169 : memref<125xi32, #tpu.memory_space<vmem>>) semaphore(%arg13 : memref<!tpu.dma_semaphore, #tpu.memory_space<semaphore_mem>>)
        %dma_wait3A_173 = arith.constant 0 : i32
        %dma_wait3A_174 = arith.constant 0 : i32
        %dma_wait3A_175 = tpu.memref_slice %arg7[%dma_wait3A_173, %dma_wait3A_174] : memref<40x125xi32, #tpu.memory_space<vmem>> -> memref<1x125xi32, #tpu.memory_space<vmem>>
        %dma_wait3A_176 = tpu.memref_squeeze %dma_wait3A_175 : memref<1x125xi32, #tpu.memory_space<vmem>> -> memref<125xi32, #tpu.memory_space<vmem>>
        %dma_wait3A_177 = arith.constant 0 : i32
        %dma_wait3A_178 = arith.constant 0 : i32
        %dma_wait3A_179 = tpu.memref_slice %arg2[%dma_wait3A_177, %dma_wait3A_178] : memref<20000x128xf32, #tpu.memory_space<hbm>> -> memref<20000x128xf32, #tpu.memory_space<hbm>>
        tpu.wait_indirect_dma semaphore(%arg13 : memref<!tpu.dma_semaphore, #tpu.memory_space<semaphore_mem>>) src(%dma_wait3A_179 : memref<20000x128xf32, #tpu.memory_space<hbm>>) dst(%arg10 : memref<125x128xf32, #tpu.memory_space<vmem>>)
        %add3A_180 = arith.constant 1 : i32
        %add3A_181 = arith.addi %mul3A_145, %add3A_180 : i32
        %dma_start3A_182 = arith.constant 0 : i32
        %dma_start3A_183 = tpu.memref_slice %arg8[%add3A_181, %dma_start3A_182] : memref<40x125xi32, #tpu.memory_space<vmem>> -> memref<1x125xi32, #tpu.memory_space<vmem>>
        %dma_start3A_184 = tpu.memref_squeeze %dma_start3A_183 : memref<1x125xi32, #tpu.memory_space<vmem>> -> memref<125xi32, #tpu.memory_space<vmem>>
        %dma_start3A_185 = arith.constant 0 : i32
        %dma_start3A_186 = arith.constant 0 : i32
        %dma_start3A_187 = tpu.memref_slice %arg11[%dma_start3A_185, %dma_start3A_186] : memref<10000x128xf32, #tpu.memory_space<vmem_shared>> -> memref<10000x128xf32, #tpu.memory_space<vmem_shared>>
        tpu.enqueue_indirect_dma source(%arg10 : memref<125x128xf32, #tpu.memory_space<vmem>>) target(%dma_start3A_187 : memref<10000x128xf32, #tpu.memory_space<vmem_shared>>) offsets(%dma_start3A_184 : memref<125xi32, #tpu.memory_space<vmem>>) semaphore(%arg15 : memref<!tpu.dma_semaphore, #tpu.memory_space<semaphore_mem>>) {add = true}
        %dma_wait3A_188 = arith.constant 0 : i32
        %dma_wait3A_189 = arith.constant 0 : i32
        %dma_wait3A_190 = tpu.memref_slice %arg8[%dma_wait3A_188, %dma_wait3A_189] : memref<40x125xi32, #tpu.memory_space<vmem>> -> memref<1x125xi32, #tpu.memory_space<vmem>>
        %dma_wait3A_191 = tpu.memref_squeeze %dma_wait3A_190 : memref<1x125xi32, #tpu.memory_space<vmem>> -> memref<125xi32, #tpu.memory_space<vmem>>
        %dma_wait3A_192 = arith.constant 0 : i32
        %dma_wait3A_193 = arith.constant 0 : i32
        %dma_wait3A_194 = tpu.memref_slice %arg11[%dma_wait3A_192, %dma_wait3A_193] : memref<10000x128xf32, #tpu.memory_space<vmem_shared>> -> memref<10000x128xf32, #tpu.memory_space<vmem_shared>>
        tpu.wait_indirect_dma semaphore(%arg14 : memref<!tpu.dma_semaphore, #tpu.memory_space<semaphore_mem>>) src(%arg9 : memref<125x128xf32, #tpu.memory_space<vmem>>) dst(%dma_wait3A_194 : memref<10000x128xf32, #tpu.memory_space<vmem_shared>>)
        %add3A_195 = arith.constant 2 : i32
        %add3A_196 = arith.addi %mul3A_145, %add3A_195 : i32
        %dma_start3A_197 = arith.constant 0 : i32
        %dma_start3A_198 = tpu.memref_slice %arg7[%add3A_196, %dma_start3A_197] : memref<40x125xi32, #tpu.memory_space<vmem>> -> memref<1x125xi32, #tpu.memory_space<vmem>>
        %dma_start3A_199 = tpu.memref_squeeze %dma_start3A_198 : memref<1x125xi32, #tpu.memory_space<vmem>> -> memref<125xi32, #tpu.memory_space<vmem>>
        %dma_start3A_200 = arith.constant 0 : i32
        %dma_start3A_201 = arith.constant 0 : i32
        %dma_start3A_202 = tpu.memref_slice %arg2[%dma_start3A_200, %dma_start3A_201] : memref<20000x128xf32, #tpu.memory_space<hbm>> -> memref<20000x128xf32, #tpu.memory_space<hbm>>
        tpu.enqueue_indirect_dma source(%dma_start3A_202 : memref<20000x128xf32, #tpu.memory_space<hbm>>) target(%arg9 : memref<125x128xf32, #tpu.memory_space<vmem>>) offsets(%dma_start3A_199 : memref<125xi32, #tpu.memory_space<vmem>>) semaphore(%arg12 : memref<!tpu.dma_semaphore, #tpu.memory_space<semaphore_mem>>)
      }
      %scan3A_87 = arith.constant 18 : i32
      %dma_wait3A_88 = arith.constant 0 : i32
      %dma_wait3A_89 = arith.constant 0 : i32
      %dma_wait3A_90 = tpu.memref_slice %arg7[%dma_wait3A_88, %dma_wait3A_89] : memref<40x125xi32, #tpu.memory_space<vmem>> -> memref<1x125xi32, #tpu.memory_space<vmem>>
      %dma_wait3A_91 = tpu.memref_squeeze %dma_wait3A_90 : memref<1x125xi32, #tpu.memory_space<vmem>> -> memref<125xi32, #tpu.memory_space<vmem>>
      %dma_wait3A_92 = arith.constant 0 : i32
      %dma_wait3A_93 = arith.constant 0 : i32
      %dma_wait3A_94 = tpu.memref_slice %arg2[%dma_wait3A_92, %dma_wait3A_93] : memref<20000x128xf32, #tpu.memory_space<hbm>> -> memref<20000x128xf32, #tpu.memory_space<hbm>>
      tpu.wait_indirect_dma semaphore(%arg12 : memref<!tpu.dma_semaphore, #tpu.memory_space<semaphore_mem>>) src(%dma_wait3A_94 : memref<20000x128xf32, #tpu.memory_space<hbm>>) dst(%arg9 : memref<125x128xf32, #tpu.memory_space<vmem>>)
      %dma_start3A_95 = arith.constant 38 : i32
      %dma_start3A_96 = arith.constant 0 : i32
      %dma_start3A_97 = tpu.memref_slice %arg8[%dma_start3A_95, %dma_start3A_96] : memref<40x125xi32, #tpu.memory_space<vmem>> -> memref<1x125xi32, #tpu.memory_space<vmem>>
      %dma_start3A_98 = tpu.memref_squeeze %dma_start3A_97 : memref<1x125xi32, #tpu.memory_space<vmem>> -> memref<125xi32, #tpu.memory_space<vmem>>
      %dma_start3A_99 = arith.constant 0 : i32
      %dma_start3A_100 = arith.constant 0 : i32
      %dma_start3A_101 = tpu.memref_slice %arg11[%dma_start3A_99, %dma_start3A_100] : memref<10000x128xf32, #tpu.memory_space<vmem_shared>> -> memref<10000x128xf32, #tpu.memory_space<vmem_shared>>
      tpu.enqueue_indirect_dma source(%arg9 : memref<125x128xf32, #tpu.memory_space<vmem>>) target(%dma_start3A_101 : memref<10000x128xf32, #tpu.memory_space<vmem_shared>>) offsets(%dma_start3A_98 : memref<125xi32, #tpu.memory_space<vmem>>) semaphore(%arg14 : memref<!tpu.dma_semaphore, #tpu.memory_space<semaphore_mem>>) {add = true}
      %dma_wait3A_102 = arith.constant 0 : i32
      %dma_wait3A_103 = arith.constant 0 : i32
      %dma_wait3A_104 = tpu.memref_slice %arg8[%dma_wait3A_102, %dma_wait3A_103] : memref<40x125xi32, #tpu.memory_space<vmem>> -> memref<1x125xi32, #tpu.memory_space<vmem>>
      %dma_wait3A_105 = tpu.memref_squeeze %dma_wait3A_104 : memref<1x125xi32, #tpu.memory_space<vmem>> -> memref<125xi32, #tpu.memory_space<vmem>>
      %dma_wait3A_106 = arith.constant 0 : i32
      %dma_wait3A_107 = arith.constant 0 : i32
      %dma_wait3A_108 = tpu.memref_slice %arg11[%dma_wait3A_106, %dma_wait3A_107] : memref<10000x128xf32, #tpu.memory_space<vmem_shared>> -> memref<10000x128xf32, #tpu.memory_space<vmem_shared>>
      tpu.wait_indirect_dma semaphore(%arg15 : memref<!tpu.dma_semaphore, #tpu.memory_space<semaphore_mem>>) src(%arg10 : memref<125x128xf32, #tpu.memory_space<vmem>>) dst(%dma_wait3A_108 : memref<10000x128xf32, #tpu.memory_space<vmem_shared>>)
      %dma_start3A_109 = arith.constant 39 : i32
      %dma_start3A_110 = arith.constant 0 : i32
      %dma_start3A_111 = tpu.memref_slice %arg7[%dma_start3A_109, %dma_start3A_110] : memref<40x125xi32, #tpu.memory_space<vmem>> -> memref<1x125xi32, #tpu.memory_space<vmem>>
      %dma_start3A_112 = tpu.memref_squeeze %dma_start3A_111 : memref<1x125xi32, #tpu.memory_space<vmem>> -> memref<125xi32, #tpu.memory_space<vmem>>
      %dma_start3A_113 = arith.constant 0 : i32
      %dma_start3A_114 = arith.constant 0 : i32
      %dma_start3A_115 = tpu.memref_slice %arg2[%dma_start3A_113, %dma_start3A_114] : memref<20000x128xf32, #tpu.memory_space<hbm>> -> memref<20000x128xf32, #tpu.memory_space<hbm>>
      tpu.enqueue_indirect_dma source(%dma_start3A_115 : memref<20000x128xf32, #tpu.memory_space<hbm>>) target(%arg10 : memref<125x128xf32, #tpu.memory_space<vmem>>) offsets(%dma_start3A_112 : memref<125xi32, #tpu.memory_space<vmem>>) semaphore(%arg13 : memref<!tpu.dma_semaphore, #tpu.memory_space<semaphore_mem>>)
      %dma_wait3A_116 = arith.constant 0 : i32
      %dma_wait3A_117 = arith.constant 0 : i32
      %dma_wait3A_118 = tpu.memref_slice %arg7[%dma_wait3A_116, %dma_wait3A_117] : memref<40x125xi32, #tpu.memory_space<vmem>> -> memref<1x125xi32, #tpu.memory_space<vmem>>
      %dma_wait3A_119 = tpu.memref_squeeze %dma_wait3A_118 : memref<1x125xi32, #tpu.memory_space<vmem>> -> memref<125xi32, #tpu.memory_space<vmem>>
      %dma_wait3A_120 = arith.constant 0 : i32
      %dma_wait3A_121 = arith.constant 0 : i32
      %dma_wait3A_122 = tpu.memref_slice %arg2[%dma_wait3A_120, %dma_wait3A_121] : memref<20000x128xf32, #tpu.memory_space<hbm>> -> memref<20000x128xf32, #tpu.memory_space<hbm>>
      tpu.wait_indirect_dma semaphore(%arg13 : memref<!tpu.dma_semaphore, #tpu.memory_space<semaphore_mem>>) src(%dma_wait3A_122 : memref<20000x128xf32, #tpu.memory_space<hbm>>) dst(%arg10 : memref<125x128xf32, #tpu.memory_space<vmem>>)
      %dma_start3A_123 = arith.constant 39 : i32
      %dma_start3A_124 = arith.constant 0 : i32
      %dma_start3A_125 = tpu.memref_slice %arg8[%dma_start3A_123, %dma_start3A_124] : memref<40x125xi32, #tpu.memory_space<vmem>> -> memref<1x125xi32, #tpu.memory_space<vmem>>
      %dma_start3A_126 = tpu.memref_squeeze %dma_start3A_125 : memref<1x125xi32, #tpu.memory_space<vmem>> -> memref<125xi32, #tpu.memory_space<vmem>>
      %dma_start3A_127 = arith.constant 0 : i32
      %dma_start3A_128 = arith.constant 0 : i32
      %dma_start3A_129 = tpu.memref_slice %arg11[%dma_start3A_127, %dma_start3A_128] : memref<10000x128xf32, #tpu.memory_space<vmem_shared>> -> memref<10000x128xf32, #tpu.memory_space<vmem_shared>>
      tpu.enqueue_indirect_dma source(%arg10 : memref<125x128xf32, #tpu.memory_space<vmem>>) target(%dma_start3A_129 : memref<10000x128xf32, #tpu.memory_space<vmem_shared>>) offsets(%dma_start3A_126 : memref<125xi32, #tpu.memory_space<vmem>>) semaphore(%arg15 : memref<!tpu.dma_semaphore, #tpu.memory_space<semaphore_mem>>) {add = true}
      %dma_wait3A_130 = arith.constant 0 : i32
      %dma_wait3A_131 = arith.constant 0 : i32
      %dma_wait3A_132 = tpu.memref_slice %arg8[%dma_wait3A_130, %dma_wait3A_131] : memref<40x125xi32, #tpu.memory_space<vmem>> -> memref<1x125xi32, #tpu.memory_space<vmem>>
      %dma_wait3A_133 = tpu.memref_squeeze %dma_wait3A_132 : memref<1x125xi32, #tpu.memory_space<vmem>> -> memref<125xi32, #tpu.memory_space<vmem>>
      %dma_wait3A_134 = arith.constant 0 : i32
      %dma_wait3A_135 = arith.constant 0 : i32
      %dma_wait3A_136 = tpu.memref_slice %arg11[%dma_wait3A_134, %dma_wait3A_135] : memref<10000x128xf32, #tpu.memory_space<vmem_shared>> -> memref<10000x128xf32, #tpu.memory_space<vmem_shared>>
      tpu.wait_indirect_dma semaphore(%arg14 : memref<!tpu.dma_semaphore, #tpu.memory_space<semaphore_mem>>) src(%arg9 : memref<125x128xf32, #tpu.memory_space<vmem>>) dst(%dma_wait3A_136 : memref<10000x128xf32, #tpu.memory_space<vmem_shared>>)
      %dma_wait3A_137 = arith.constant 0 : i32
      %dma_wait3A_138 = arith.constant 0 : i32
      %dma_wait3A_139 = tpu.memref_slice %arg8[%dma_wait3A_137, %dma_wait3A_138] : memref<40x125xi32, #tpu.memory_space<vmem>> -> memref<1x125xi32, #tpu.memory_space<vmem>>
      %dma_wait3A_140 = tpu.memref_squeeze %dma_wait3A_139 : memref<1x125xi32, #tpu.memory_space<vmem>> -> memref<125xi32, #tpu.memory_space<vmem>>
      %dma_wait3A_141 = arith.constant 0 : i32
      %dma_wait3A_142 = arith.constant 0 : i32
      %dma_wait3A_143 = tpu.memref_slice %arg11[%dma_wait3A_141, %dma_wait3A_142] : memref<10000x128xf32, #tpu.memory_space<vmem_shared>> -> memref<10000x128xf32, #tpu.memory_space<vmem_shared>>
      tpu.wait_indirect_dma semaphore(%arg15 : memref<!tpu.dma_semaphore, #tpu.memory_space<semaphore_mem>>) src(%arg10 : memref<125x128xf32, #tpu.memory_space<vmem>>) dst(%dma_wait3A_143 : memref<10000x128xf32, #tpu.memory_space<vmem_shared>>)
    }
    %scan3A_17 = arith.constant 2 : i32
    %barrier3A_18 = arith.constant 0 : index
    tpu.barrier barrier_id(%barrier3A_18)
    %lt3A_19 = arith.constant 15 : i32
    %lt3A_20 = arith.cmpi slt, %arg1, %lt3A_19 : i32
    %convert_element_type3A_21 = arith.extui %lt3A_20 : i1 to i32
    %cond3A_22 = arith.constant 0 : i32
    %cond3A_23 = arith.cmpi ne, %convert_element_type3A_21, %cond3A_22 : i32
    scf.if %cond3A_23 {
      %mul3A = arith.constant 624 : i32
      %mul3A_29 = arith.muli %arg1, %mul3A : i32
      %mul3A_30 = arith.constant 624 : i32
      %mul3A_31 = arith.muli %arg1, %mul3A_30 : i32
      "tpu.region"() ({
        %run_scoped3A_32 = tpu.sem_alloc : memref<!tpu.dma_semaphore, #tpu.memory_space<semaphore_mem>>
        %dma_start3A_33 = arith.constant 0 : i32
        %dma_start3A_34 = tpu.memref_slice %arg6[%arg0, %mul3A_31, %dma_start3A_33] : memref<2x10000x128xf32, #tpu.memory_space<hbm>> -> memref<1x624x128xf32, #tpu.memory_space<hbm>>
        %dma_start3A_35 = tpu.memref_squeeze %dma_start3A_34 : memref<1x624x128xf32, #tpu.memory_space<hbm>> -> memref<624x128xf32, #tpu.memory_space<hbm>>
        %dma_start3A_36 = arith.constant 0 : i32
        %dma_start3A_37 = tpu.memref_slice %arg11[%mul3A_29, %dma_start3A_36] : memref<10000x128xf32, #tpu.memory_space<vmem_shared>> -> memref<624x128xf32, #tpu.memory_space<vmem_shared>>
        tpu.enqueue_dma source(%dma_start3A_37 : memref<624x128xf32, #tpu.memory_space<vmem_shared>>) target(%dma_start3A_35 : memref<624x128xf32, #tpu.memory_space<hbm>>) target_semaphore(%run_scoped3A_32 : memref<!tpu.dma_semaphore, #tpu.memory_space<semaphore_mem>>)
        %dma_wait3A = arith.constant 0 : i32
        %dma_wait3A_38 = tpu.memref_slice %arg6[%arg0, %mul3A_31, %dma_wait3A] : memref<2x10000x128xf32, #tpu.memory_space<hbm>> -> memref<1x624x128xf32, #tpu.memory_space<hbm>>
        %dma_wait3A_39 = tpu.memref_squeeze %dma_wait3A_38 : memref<1x624x128xf32, #tpu.memory_space<hbm>> -> memref<624x128xf32, #tpu.memory_space<hbm>>
        %dma_wait3A_40 = arith.constant 0 : i32
        %dma_wait3A_41 = tpu.memref_slice %arg11[%mul3A_29, %dma_wait3A_40] : memref<10000x128xf32, #tpu.memory_space<vmem_shared>> -> memref<624x128xf32, #tpu.memory_space<vmem_shared>>
        tpu.wait_dma2 semaphore(%run_scoped3A_32 : memref<!tpu.dma_semaphore, #tpu.memory_space<semaphore_mem>>) src(%dma_wait3A_41 : memref<624x128xf32, #tpu.memory_space<vmem_shared>>) dst(%dma_wait3A_39 : memref<624x128xf32, #tpu.memory_space<hbm>>)
        tpu.yield
      }) : () -> ()
    } else {
    }
    %eq3A_24 = arith.constant 15 : i32
    %eq3A_25 = arith.cmpi eq, %arg1, %eq3A_24 : i32
    %convert_element_type3A_26 = arith.extui %eq3A_25 : i1 to i32
    %cond3A_27 = arith.constant 0 : i32
    %cond3A_28 = arith.cmpi ne, %convert_element_type3A_26, %cond3A_27 : i32
    scf.if %cond3A_28 {
      "tpu.region"() ({
        %run_scoped3A_29 = tpu.sem_alloc : memref<!tpu.dma_semaphore, #tpu.memory_space<semaphore_mem>>
        %dma_start3A_30 = arith.constant 9360 : i32
        %dma_start3A_31 = arith.constant 0 : i32
        %dma_start3A_32 = tpu.memref_slice %arg6[%arg0, %dma_start3A_30, %dma_start3A_31] : memref<2x10000x128xf32, #tpu.memory_space<hbm>> -> memref<1x640x128xf32, #tpu.memory_space<hbm>>
        %dma_start3A_33 = tpu.memref_squeeze %dma_start3A_32 : memref<1x640x128xf32, #tpu.memory_space<hbm>> -> memref<640x128xf32, #tpu.memory_space<hbm>>
        %dma_start3A_34 = arith.constant 9360 : i32
        %dma_start3A_35 = arith.constant 0 : i32
        %dma_start3A_36 = tpu.memref_slice %arg11[%dma_start3A_34, %dma_start3A_35] : memref<10000x128xf32, #tpu.memory_space<vmem_shared>> -> memref<640x128xf32, #tpu.memory_space<vmem_shared>>
        tpu.enqueue_dma source(%dma_start3A_36 : memref<640x128xf32, #tpu.memory_space<vmem_shared>>) target(%dma_start3A_33 : memref<640x128xf32, #tpu.memory_space<hbm>>) target_semaphore(%run_scoped3A_29 : memref<!tpu.dma_semaphore, #tpu.memory_space<semaphore_mem>>)
        %dma_wait3A = arith.constant 9360 : i32
        %dma_wait3A_37 = arith.constant 0 : i32
        %dma_wait3A_38 = tpu.memref_slice %arg6[%arg0, %dma_wait3A, %dma_wait3A_37] : memref<2x10000x128xf32, #tpu.memory_space<hbm>> -> memref<1x640x128xf32, #tpu.memory_space<hbm>>
        %dma_wait3A_39 = tpu.memref_squeeze %dma_wait3A_38 : memref<1x640x128xf32, #tpu.memory_space<hbm>> -> memref<640x128xf32, #tpu.memory_space<hbm>>
        %dma_wait3A_40 = arith.constant 9360 : i32
        %dma_wait3A_41 = arith.constant 0 : i32
        %dma_wait3A_42 = tpu.memref_slice %arg11[%dma_wait3A_40, %dma_wait3A_41] : memref<10000x128xf32, #tpu.memory_space<vmem_shared>> -> memref<640x128xf32, #tpu.memory_space<vmem_shared>>
        tpu.wait_dma2 semaphore(%run_scoped3A_29 : memref<!tpu.dma_semaphore, #tpu.memory_space<semaphore_mem>>) src(%dma_wait3A_42 : memref<640x128xf32, #tpu.memory_space<vmem_shared>>) dst(%dma_wait3A_39 : memref<640x128xf32, #tpu.memory_space<hbm>>)
        tpu.yield
      }) : () -> ()
    } else {
    }
    return
  }
}

module attributes {stable_mosaic.version = 14 : i64} {
  func.func @mm_kernel(%arg0: i32, %arg1: memref<2x2000x128xf32, #tpu.memory_space<vmem>>, %arg2: memref<2x256x128xf32, #tpu.memory_space<vmem>>, %arg3: memref<1x256xf32, #tpu.memory_space<vmem>>, %arg4: memref<2000x256xf32, #tpu.memory_space<vmem>>) attributes {dimension_semantics = [#tpu.dimension_semantics<arbitrary>], iteration_bounds = array<i64: 5>, scalar_prefetch = 0 : i64, scratch_operands = 0 : i64, tpu.core_type = #tpu.core_type<tc>, window_params = [{transform_indices = @transform_0, window_bounds = array<i64: 2, 2000, 128>}, {pipeline_mode = #tpu.pipeline_mode<synchronous>, transform_indices = @transform_1, window_bounds = array<i64: 2, 256, 128>}, {pipeline_mode = #tpu.pipeline_mode<synchronous>, transform_indices = @transform_2, window_bounds = array<i64: 1, 256>}, {transform_indices = @transform_3, window_bounds = array<i64: 2000, 256>}]} {
    %get3A = arith.constant 0 : index
    %get3A_0 = arith.constant 0 : index
    %get3A_1 = arith.constant 0 : index
    %get3A_2 = vector.load %arg1[%get3A, %get3A_0, %get3A_1] : memref<2x2000x128xf32, #tpu.memory_space<vmem>>, vector<1x2000x128xf32>
    %get3A_3 = vector.shape_cast %get3A_2 : vector<1x2000x128xf32> to vector<2000x128xf32>
    %get3A_4 = arith.constant 0 : index
    %get3A_5 = arith.constant 0 : index
    %get3A_6 = arith.constant 0 : index
    %get3A_7 = vector.load %arg2[%get3A_4, %get3A_5, %get3A_6] : memref<2x256x128xf32, #tpu.memory_space<vmem>>, vector<1x256x128xf32>
    %get3A_8 = vector.shape_cast %get3A_7 : vector<1x256x128xf32> to vector<256x128xf32>
    %dot_general3A = arith.constant dense<0.000000e+00> : vector<2000x256xf32>
    %dot_general3A_9 = tpu.matmul %get3A_3, %get3A_8, %dot_general3A {dimension_numbers = #tpu.dot_dimension_numbers<[1], [1], [0], [0], [0, 0, 1, 0], [], []>, transpose_lhs_hint = false} : vector<2000x128xf32>, vector<256x128xf32>, vector<2000x256xf32> -> vector<2000x256xf32>
    %get3A_10 = arith.constant 1 : index
    %get3A_11 = arith.constant 0 : index
    %get3A_12 = arith.constant 0 : index
    %get3A_13 = vector.load %arg1[%get3A_10, %get3A_11, %get3A_12] : memref<2x2000x128xf32, #tpu.memory_space<vmem>>, vector<1x2000x128xf32>
    %get3A_14 = vector.shape_cast %get3A_13 : vector<1x2000x128xf32> to vector<2000x128xf32>
    %get3A_15 = arith.constant 1 : index
    %get3A_16 = arith.constant 0 : index
    %get3A_17 = arith.constant 0 : index
    %get3A_18 = vector.load %arg2[%get3A_15, %get3A_16, %get3A_17] : memref<2x256x128xf32, #tpu.memory_space<vmem>>, vector<1x256x128xf32>
    %get3A_19 = vector.shape_cast %get3A_18 : vector<1x256x128xf32> to vector<256x128xf32>
    %dot_general3A_20 = arith.constant dense<0.000000e+00> : vector<2000x256xf32>
    %dot_general3A_21 = tpu.matmul %get3A_14, %get3A_19, %dot_general3A_20 {dimension_numbers = #tpu.dot_dimension_numbers<[1], [1], [0], [0], [0, 0, 1, 0], [], []>, transpose_lhs_hint = false} : vector<2000x128xf32>, vector<256x128xf32>, vector<2000x256xf32> -> vector<2000x256xf32>
    %add3A = arith.addf %dot_general3A_9, %dot_general3A_21 : vector<2000x256xf32>
    %get3A_22 = arith.constant 0 : index
    %get3A_23 = arith.constant 0 : index
    %get3A_24 = vector.load %arg3[%get3A_22, %get3A_23] : memref<1x256xf32, #tpu.memory_space<vmem>>, vector<1x256xf32>
    %add3A_25 = vector.broadcast %get3A_24 : vector<1x256xf32> to vector<2000x256xf32>
    %add3A_26 = arith.addf %add3A, %add3A_25 : vector<2000x256xf32>
    %swap3A = arith.constant 0 : index
    %swap3A_27 = arith.constant 0 : index
    %swap3A_28 = vector.load %arg4[%swap3A, %swap3A_27] : memref<2000x256xf32, #tpu.memory_space<vmem>>, vector<2000x256xf32>
    tpu.vector_store %arg4[%swap3A, %swap3A_27], %add3A_26 {strides = array<i32>} : memref<2000x256xf32, #tpu.memory_space<vmem>>, vector<2000x256xf32>,
    return
  }
  func.func @transform_0(%arg0: i32) -> (i32, i32, i32) {
    %c0_i32 = arith.constant 0 : i32
    %c0_i32_0 = arith.constant 0 : i32
    %c0_i32_1 = arith.constant 0 : i32
    return %c0_i32, %arg0, %c0_i32_0 : i32, i32, i32
  }
  func.func @transform_1(%arg0: i32) -> (i32, i32, i32) {
    %c0_i32 = arith.constant 0 : i32
    %c0_i32_0 = arith.constant 0 : i32
    %c0_i32_1 = arith.constant 0 : i32
    %c0_i32_2 = arith.constant 0 : i32
    return %c0_i32, %c0_i32_0, %c0_i32_1 : i32, i32, i32
  }
  func.func @transform_2(%arg0: i32) -> (i32, i32) {
    %c0_i32 = arith.constant 0 : i32
    %c0_i32_0 = arith.constant 0 : i32
    %c0_i32_1 = arith.constant 0 : i32
    return %c0_i32, %c0_i32_0 : i32, i32
  }
  func.func @transform_3(%arg0: i32) -> (i32, i32) {
    %c0_i32 = arith.constant 0 : i32
    %c0_i32_0 = arith.constant 0 : i32
    return %arg0, %c0_i32 : i32, i32
  }
}

</mosaic_0001>

<sc_bundles>
// kernel: kernel.4.cloned.1.call-start
scs
__scs_entry_jumppad:
0x0: {  	(pc) =	sbr.rel $0x88, $3  }
0x1: {  	(tag) =	ssettag $0x0;
	lr =	simm.s32 $0x1  }
0x2: {  	[smem:$0x3F9D] =	sst lr;
	_ =	strace $0xD0000000  }
0x3: {  	_ = 	snop  }
0x4: {  	_ = 	snop  }
0x5: {  	_ = 	snop  }
0x6: {  	_ = 	snop  }
0x7: {  	_ = 	snop  }
__scs_overlays_trampoline_lowered:
0x8: {  	[smem:$0x3FAC] =	sst s0  }
0x9: {  	[smem:$0x3FAD] =	sst s1  }
0xa: {  	[smem:$0x3FAE] =	sst s2  }
0xb: {  	[smem:$0x3FAF] =	sst s3  }
0xc: {  	[smem:$0x3FB0] =	sst s4  }
0xd: {  	[smem:$0x3FB1] =	sst s5  }
0xe: {  	[smem:$0x3FB2] =	sst s6  }
0xf: {  	[smem:$0x3FB3] =	sst s7  }
0x10: {  	[smem:$0x3FB4] =	sst s8  }
0x11: {  	[smem:$0x3FB5] =	sst s9;
	s0 =	simm.s32 @!p0 $0x0  }
0x12: {  	s1 =	sld [smem:$0x3F9B];
	s0 =	simm.s32 @p0 $0x1  }
0x13: {  	[smem:$0x3FB6] =	sst s0;
	s0 =	simm.s32 @!p1 $0x0  }
0x14: {  	s2 =	sld [smem:$0x3F9A];
	s0 =	simm.s32 @p1 $0x1  }
0x15: {  	[smem:$0x3FB7] =	sst s0;
	s0 =	simm.s32 @!p2 $0x0  }
0x16: {  	s3 =	sld [smem:$0x3FDB];
	s0 =	simm.s32 @p2 $0x1  }
0x17: {  	s4 =	simm.s32 $0x1BF5;
	[smem:$0x3FB9] =	sst s0  }
0x18: {  	s0 =	sld [smem:$0x3F9C];
	_ =	swait.ge [sflag:s4], $0x0  }
0x19: {  	s7 =	sld [smem:$0x3F9D]  }
0x1a: {  	s8 =	sadd.s32 $0xFFFFE003, lr  }
0x1b: {  	s9 =	sadd.s32 $0xFFFFFEF7, lr;
	s5 =	simm.s32 $0xFFFFFFFF;
	p2 =	slt.u32 s8, $0xFFFFF086  }
0x1c: {  	p1 =	slt.u32 s9, $0xF7A;
	s5 =	simm.s32 @!p2 $0x0  }
0x1d: {  	s5 =	simm.s32 @p1 $0x1;
	p0 =	seq.s32 s7, s2  }
0x1e: {  	s7 =	smul.u32 @!p0 $0xF7A, s2;
	p2 =	seq.s32 @!p0 s5, $0x0  }
0x1f: {  	s9 =	smul.u32 $0xF7A, s1;
	s8 =	simm.s32 @!p0 $0x1BF5;
	p2 =	por !p2, p0  }
0x20: {  	[sflag:s8] =	ssyncset.s32 @!p0 $0xFFFFF086;
	s6 =	sadd.s32 @!p0 s3, s7;
	s7 =	simm.s32 @!p0 $0x108  }
0x21: {  	s3 =	sadd.s32 s3, s9;
	s6 =	sadd.s32 @!p0 $0x88, s6;
	s7 =	simm.s32 @p2 $0x1082  }
0x22: {  	[simem:s7], [sflag:s8] =	dma.local @!p0 [hbm:s6], $0xF7A  }
0x23: {  	s9 =	sor.u32 $0xD0000000, s2;
	s6 =	simm.s32 $0x108;
	_ =	swait.ge @!p0 [sflag:s8], $0x0  }
0x24: {  	s3 =	sadd.s32 $0x88, s3;
	s6 =	simm.s32 @!p1 $0x1082;
	[sflag:s4] =	ssyncset.s32 $0xFFFFF086  }
0x25: {  	[simem:s6], [sflag:s4] =	dma.local [hbm:s3], $0xF7A  }
0x26: {  	[smem:$0x3F9D] =	sst s1;
	(tag) =	ssettag s2;
	_ =	strace s9  }
0x27: {  	s1 =	sld [smem:$0x3FAD]  }
0x28: {  	s2 =	sld [smem:$0x3FAE]  }
0x29: {  	s4 =	sld [smem:$0x3FB0]  }
0x2a: {  	p0 =	seq.s32 s5, $0x0;
	s5 =	sld [smem:$0x3FB1]  }
0x2b: {  	s6 =	sld [smem:$0x3FB2]  }
0x2c: {  	s7 =	sld [smem:$0x3FB3]  }
0x2d: {  	s3 =	simm.s32 $0x108;
	s8 =	sld [smem:$0x3FB4]  }
0x2e: {  	s3 =	simm.s32 @!p0 $0x1082;
	s9 =	sld [smem:$0x3FB5]  }
0x2f: {  	lr =	sadd.s32 s0, s3;
	s0 =	sld [smem:$0x3FAC]  }
0x30: {  	s3 =	sld [smem:$0x3FAF]  }
0x31: {  	[smem:$0x3FB8] =	sst s10  }
0x32: {  	s10 =	sld [smem:$0x3FB6];
	_ =	sdelay $0x3  }
0x33: {  	p0 =	seq.s32 s10, $0x1;
	s10 =	sld [smem:$0x3FB8];
	_ =	sdelay $0x3  }
0x34: {  	[smem:$0x3FB8] =	sst s10  }
0x35: {  	s10 =	sld [smem:$0x3FB7];
	_ =	sdelay $0x3  }
0x36: {  	p1 =	seq.s32 s10, $0x1;
	s10 =	sld [smem:$0x3FB8];
	_ =	sdelay $0x3  }
0x37: {  	[smem:$0x3FB8] =	sst s10  }
0x38: {  	s10 =	sld [smem:$0x3FB9]  }
0x39: {  	_ = 	snop;
	(pc) =	sbr.ind lr, $3  }
0x3a: {  	_ = 	snop  }
0x3b: {  	_ = 	snop  }
0x3c: {  	p2 =	seq.s32 s10, $0x1;
	s10 =	sld [smem:$0x3FB8]  }
0x3d: {  	_ =	shalt  }
0x3e: {  	_ =	shalt  }
0x3f: {  	_ =	shalt  }
0x40: {  	_ =	shalt  }
0x41: {  	_ =	shalt  }
0x42: {  	_ =	shalt  }
0x43: {  	_ =	shalt  }
0x44: {  	_ =	shalt  }
0x45: {  	_ =	shalt  }
0x46: {  	_ =	shalt  }
0x47: {  	_ =	shalt  }
0x48: {  	_ =	shalt  }
0x49: {  	_ =	shalt  }
0x4a: {  	_ =	shalt  }
0x4b: {  	_ =	shalt  }
0x4c: {  	_ =	shalt  }
0x4d: {  	_ =	shalt  }
0x4e: {  	_ =	shalt  }
0x4f: {  	_ =	shalt  }
0x50: {  	_ =	shalt  }
0x51: {  	_ =	shalt  }
0x52: {  	_ =	shalt  }
0x53: {  	_ =	shalt  }
0x54: {  	_ =	shalt  }
0x55: {  	_ =	shalt  }
0x56: {  	_ =	shalt  }
0x57: {  	_ =	shalt  }
0x58: {  	_ =	shalt  }
0x59: {  	_ =	shalt  }
0x5a: {  	_ =	shalt  }
0x5b: {  	_ =	shalt  }
0x5c: {  	_ =	shalt  }
0x5d: {  	_ =	shalt  }
0x5e: {  	_ =	shalt  }
0x5f: {  	_ =	shalt  }
0x60: {  	_ =	shalt  }
0x61: {  	_ =	shalt  }
0x62: {  	_ =	shalt  }
0x63: {  	_ =	shalt  }
0x64: {  	_ =	shalt  }
0x65: {  	_ =	shalt  }
0x66: {  	_ =	shalt  }
0x67: {  	_ =	shalt  }
0x68: {  	_ =	shalt  }
0x69: {  	_ =	shalt  }
0x6a: {  	_ =	shalt  }
0x6b: {  	_ =	shalt  }
0x6c: {  	_ =	shalt  }
0x6d: {  	_ =	shalt  }
0x6e: {  	_ =	shalt  }
0x6f: {  	_ =	shalt  }
0x70: {  	_ =	shalt  }
0x71: {  	_ =	shalt  }
0x72: {  	_ =	shalt  }
0x73: {  	_ =	shalt  }
0x74: {  	_ =	shalt  }
0x75: {  	_ =	shalt  }
0x76: {  	_ =	shalt  }
0x77: {  	_ =	shalt  }
0x78: {  	_ =	shalt  }
0x79: {  	_ =	shalt  }
0x7a: {  	_ =	shalt  }
0x7b: {  	_ =	shalt  }
0x7c: {  	_ =	shalt  }
0x7d: {  	_ =	shalt  }
0x7e: {  	_ =	shalt  }
0x7f: {  	_ =	shalt  }
0x80: {  	_ =	shalt  }
0x81: {  	_ =	shalt  }
0x82: {  	_ =	shalt  }
0x83: {  	_ =	shalt  }
0x84: {  	_ =	shalt  }
0x85: {  	_ =	shalt  }
0x86: {  	_ =	shalt  }
0x87: {  	_ =	shalt  }
.Lfunc_end0:
.L_simem_size_0:
called_computation_lowered:
.L_overlay_start_0:
0x88: {  	s2 =	sld [smem:$0x3FD9]  }
0x89: {  	s3 =	sld [smem:$0x3FFE];
	_ =	sdelay $0x1  }
0x8a: {  	s1 =	srdreg.scid  }
0x8b: {  	s0 =	sand.u32 $0x1, s1  }
0x8c: {  	s17 =	sshll.u32 s0, $0xA;
	s2 =	sadd.s32 s3, s2  }
0x8d: {  	s2 =	sadd.s32 s2, s17  }
0x8e: {  	[smem:$0x3FC4] =	sst s2  }
0x8f: {  	_ = 	snop  }
0x90: {  	s2 =	sld [smem:$0x3FD0];
	(tm) =	ssettm $0x1  }
0x91: {  	s18 =	sld [smem:$0x3FFB];
	_ =	sdelay $0x3  }
0x92: {  	_ =	strace s18  }
0x93: {  	s3 =	sld [smem:$0x3FFC];
	_ =	sdelay $0x3  }
0x94: {  	_ =	strace s3  }
0x95: {  	s3 =	sld [smem:$0x3FFD];
	_ =	sdelay $0x3  }
0x96: {  	_ =	strace s3  }
0x97: {  	_ =	strace $0x8FFFFFFF  }
0x98: {  	s19 =	sld [smem:$0x3FDB];
	_ =	sdelay $0x1  }
0x99: {  	s4 =	simm.s32 $_scs_section_size  }
0x9a: {  	s5 =	simm.s32 $_size__tile_overlayer_lowered;
	s6 =	simm.s32 $_tile_overlayer_lowered  }
0x9b: {  	s22 =	simm.s32 $0x1BFF;
	s21 =	sshll.u32 s6, $0x1;
	s3 =	sadd.s32 s4, s19  }
0x9c: {  	s7 =	simm.s32 $0x0;
	s20 =	sshll.u32 s5, $0x1;
	s5 =	sadd.s32 s21, s3  }
0x9d: {  	[timem:s7], [sflag:s22] =	dma.local [hbm:s5], s20  }
0x9e: {  	_ =	swait.ge [sflag:s22], s20  }
0x9f: {  	s4 =	ssub.s32 $0x0, s20;
	[sflag:s22] =	ssyncset.done $0x0  }
0xa0: {  	[sflag:s22] =	ssyncadd.s32 s4;
	_ =	sdelay $0x1  }
0xa1: {  	s23 =	simm.s32 $0x1B8B  }
0xa2: {  	_ =	swait.ge [sflag:s23], $0x1  }
0xa3: {  	[sflag:s23] =	ssyncset.done $0x0  }
0xa4: {  	s25 =	simm.s32 $0x1B8E;
	s24 =	sld [smem:$0x3FFE];
	[sflag:s23] =	ssyncadd.s32 $0xFFFFFFFF  }
0xa5: {  	s26 =	simm.s32 $execute0_lowered;
	[smem:$0x3FD2] =	sst s25  }
0xa6: {  	s5 =	sshll.u32 s26, $0x1;
	_ =	strace $0x80000046;
	[dreg:$0x1] =	wrdreg $0xFFFFFFFF  }
0xa7: {  	s28 =	simm.s32 $_size_execute0_lowered;
	s3 =	sadd.s32 s3, s5;
	[dreg:$0x0] =	wrdreg $0x0  }
0xa8: {  	s5 =	sshll.u32 s28, $0x1;
	[dreg:$0x2] =	wrdreg s3  }
0xa9: {  	[dreg:$0x3] =	wrdreg s5  }
0xaa: {  	[dreg:$0x4] =	wrdreg $0xC0  }
0xab: {  	_ =	task [dreg:s7], $0x5FFFF  }
0xac: {  	[dreg:$0x1] =	wrdreg $0xFFFFFFFF  }
0xad: {  	[dreg:$0x0] =	wrdreg $0x60  }
0xae: {  	[dreg:$0x2] =	wrdreg s2  }
0xaf: {  	[dreg:$0x3] =	wrdreg s24  }
0xb0: {  	[dreg:$0x4] =	wrdreg $0xA8000  }
0xb1: {  	[dreg:$0x5] =	wrdreg $0x9  }
0xb2: {  	_ =	task.clear_ibuf [dreg:s7], $0x6FFFF;
	_ =	strace $0x90000046  }
0xb3: {  	s29 =	simm.s32 $0x9;
	_ =	strace $0x80000048  }
0xb4: {  	_ =	swait.ge [sflag:s29], $0x1  }
0xb5: {  	[sflag:s29] =	ssyncadd.s32 $0xFFFFFFFF  }
0xb6: {  	_ =	strace $0x90000048  }
0xb7: {  	_ =	sfence  }
0xb8: {  	s30 =	sld [smem:$0x0];
	_ =	sdelay $0x2  }
0xb9: {  	s31 =	sshll.u32 s1, $0xD;
	s1 =	sshrl.u32 s1, $0x2  }
0xba: {  	s3 =	sand.u32 $0x4000, s31;
	s1 =	sadd.s32 s1, s30  }
0xbb: {  	s0 =	sor.u32 s3, s0;
	s1 =	sshll.u32 s1, $0x11  }
0xbc: {  	s0 =	sor.u32 s1, s0  }
0xbd: {  	s0 =	sadd.s32 $0x8F2B, s0  }
0xbe: {  	[sflag:s0] =	ssyncadd.remote.s32 $0x1  }
0xbf: {  	_ =	sfence.sel $0xFFFF  }
0xc0: {  	[dreg:$0x0] =	wrdreg $0xFFFFFFFF;
	(pc) =	sbr.abs _section_cstart, $3  }
0xc1: {  	[dreg:$0x1] =	wrdreg $0xFFFFFFFF  }
0xc2: {  	_ =	task.clear_ibuf [dreg:s7], $0x2FFFF;
	_ =	strace $0x9FFFFFFF  }
0xc3: {  	(tm) =	ssettm $0x7FFFFFFF  }
tec
execute0_lowered:
.L_overlay_start_1:
0x0: {  	(tag) =	ssettag $0x1  }
0x1: {  	s1 =	rddreg [dreg:$0x0]  }
0x2: {  	s0 =	srdreg.scid;
	s2 =	rddreg [dreg:$0x1]  }
0x3: {  	s17 =	stileid.u32;
	s3 =	rddreg [dreg:$0x2];
	s4 =	simm.s32 $0x0  }
0x4: {  	s13 =	simm.s32 $0x5;
	s14 =	simm.s32 $0x1400;
	s15 =	simm.s32 $0x7D  }
0x5: {  	s16 =	simm.s32 $0x2800;
	s20 =	simm.s32 $0x1;
	s21 =	simm.s32 $0x80  }
0x6: {  	s22 =	simm.s32 $0x6800;
	s23 =	simm.s32 $0x2;
	s28 =	simm.s32 $0x4  }
0x7: {  	s29 =	simm.s32 $0x2700;
	s30 =	simm.s32 $0x1380;
	s6 =	smul.u32 $0x2800, s17  }
0x8: {  	s31 =	simm.s32 $0x2780;
	s0 =	sand.u32 $0x1, s0;
	s11 =	smul.u32 $0x4E000, s17  }
0x9: {  	[smem:$0x7FF] =	sst s4;
	s10 =	sadd.s32 $0x11800, s2;
	s26 =	smul.u32 $0x13800, s17  }
0xa: {  	p0 =	seq.s32 s17, $0xF;
	s5 =	smul.u32 $0x28000, s0;
	s7 =	ssub.s32 $0x2, s0  }
0xb: {  	_ =	strace $0x80000047;
	s0 =	smul.u32 $0x138800, s0;
	s9 =	sshrl.u32 s7, $0x1  }
0xc: {  	s25 =	sshrl.u32 s11, $0x2;
	s5 =	sadd.s32 s6, s5;
	s12 =	ssub.s32 s7, s9  }
0xd: {  	s6 =	sshrl.u32 s6, $0x3;
	s11 =	sadd.s32 s26, s0;
	s0 =	sshrl.u32 s0, $0x3  }
0xe: {  	s26 =	simm.s32 $0x100;
	s5 =	sshrl.u32 s5, $0x3;
	s7 =	sadd.s32 s2, s6  }
0xf: {  	s6 =	sadd.s32 $0x124800, s3;
	s11 =	sshrl.u32 s11, $0x3;
	s0 =	sadd.s32 s10, s0  }
0x10: {  	s12 =	smax.u32 s12, $0x1;
	s8 =	sadd.s32 s5, s2;
	s5 =	sadd.s32 $0xF000, s2  }
0x11: {  	s2 =	sadd.s32 s25, s3;
	s9 =	sadd.s32 $0x280, s7;
	s10 =	sadd.s32 s10, s11  }
0x12: {  	s11 =	sadd.s32 $0x24900, s0;
	s0 =	sshll.u32 @!p0 s17, $0x6;
	s17 =	sshrl.u32 @p0 s6, $0x3  }
0x13: {  	s25 =	simm.s32 $0x3;
	s24 =	sadd.s32 $0x5000, s8;
	s8 =	sadd.s32 $0x5280, s8  }
0x14: {  	s18 =	sor.u32 @!p0 $0x1C05, s0;
	s19 =	sshrl.u32 @!p0 s2, $0x3;
	[dreg:$0x4] =	wrdreg s24  }
0x15: {  	s2 =	simm.s32 $0x0;
	[dreg:$0x5] =	wrdreg s8;
	s24 =	simm.s32 $0x1480  }
.LBB2_1:
0x16: {  	s0 =	rddreg [dreg:$0x4]  }
0x17: {  	[tilespmem:s4], [sflag:$0x5] =	stream.linear.gather [hbm4b:s0+s4], $0x1400, $0x38;
	[tilespmem:$0x1E080] =	vst v63  }
0x18: {  	_ =	swait.ge [sflag:s13], $0x1400  }
0x19: {  	[sflag:s13] =	ssyncset.done $0x0  }
0x1a: {  	[sflag:s13] =	ssyncadd.s32 $0xFFFFEC00  }
0x1b: {  	[tilespmem:s14], [sflag:$0x5] =	stream.linear.gather [hbm4b:s7+s4], $0x1400, $0x38;
	[tilespmem:$0x1E080] =	vst v63  }
0x1c: {  	_ =	swait.ge [sflag:s13], $0x1400  }
0x1d: {  	[sflag:s13] =	ssyncset.done $0x0  }
0x1e: {  	s0 =	simm.s32 @p0 $0x1FC5;
	[sflag:s13] =	ssyncadd.s32 $0xFFFFEC00  }
0x1f: {  	[tilespmem:s16], [sflag:$0x1] =	stream.indirect.gather [hbm4b:s1+s15], $0x80, s4, s15, $0xb8;
	[tilespmem:$0x1E080] =	vst v63  }
0x20: {  	[spmem:s17], [sflag:s0] =	dma.local @p0 [hbm:s5], $0x2800  }
0x21: {  	s0 =	simm.s32 @p0 $0x5  }
0x22: {  	_ =	swait.ge @p0 [sflag:s0], $0x2800  }
0x23: {  	[sflag:s0] =	ssyncset.done @p0 $0x0  }
0x24: {  	[sflag:s0] =	ssyncadd.s32 @p0 $0xFFFFD800;
	s0 =	simm.s32 @!p0 $0x5  }
0x25: {  	[spmem:s19], [sflag:s18] =	dma.local @!p0 [hbm:s5], $0x2700  }
0x26: {  	_ =	swait.ge @!p0 [sflag:s0], $0x2700  }
0x27: {  	[sflag:s0] =	ssyncset.done @!p0 $0x0  }
0x28: {  	[sflag:s0] =	ssyncadd.s32 @!p0 $0xFFFFD900  }
0x29: {  	[bflag:$0x0] =	sbarrier.arrive $0xFFFF  }
0x2a: {  	_ =	swait.ge [sflag:s20], $0x3E80  }
0x2b: {  	[sflag:s20] =	ssyncset.done $0x0  }
0x2c: {  	[sflag:s20] =	ssyncadd.s32 $0xFFFFC180  }
0x2d: {  	[spmem:s3] =	stream.indirect.scatter.add.f32 [tilespmem:s16], [sflag:$0x3], $0x80, s14, s15, $0xb8;
	[tilespmem:$0x1E080] =	vst v63  }
0x2e: {  	_ = 	snop  }
0x2f: {  	[tilespmem:s22], [sflag:$0x2] =	stream.indirect.gather [hbm4b:s1+s15], $0x80, s21, s15, $0xb8;
	[tilespmem:$0x1E080] =	vst v63  }
0x30: {  	_ =	swait.ge [sflag:s23], $0x3E80  }
0x31: {  	[sflag:s23] =	ssyncset.done $0x0  }
0x32: {  	[sflag:s23] =	ssyncadd.s32 $0xFFFFC180  }
0x33: {  	[spmem:s3] =	stream.indirect.scatter.add.f32 [tilespmem:s22], [sflag:$0x4], $0x80, s24, s15, $0xb8;
	[tilespmem:$0x1E080] =	vst v63  }
0x34: {  	_ =	swait.ge [sflag:s25], $0x3E80  }
0x35: {  	[sflag:s25] =	ssyncset.done $0x0  }
0x36: {  	[sflag:s25] =	ssyncadd.s32 $0xFFFFC180  }
0x37: {  	[tilespmem:s16], [sflag:$0x1] =	stream.indirect.gather [hbm4b:s1+s15], $0x80, s26, s15, $0xb8;
	[tilespmem:$0x1E080] =	vst v63  }
0x38: {  	_ =	swait.ge [sflag:s20], $0x3E80  }
0x39: {  	[sflag:s20] =	ssyncset.done $0x0  }
0x3a: {  	s8 =	simm.s32 $0x1500;
	[sflag:s20] =	ssyncadd.s32 $0xFFFFC180  }
0x3b: {  	[spmem:s3] =	stream.indirect.scatter.add.f32 [tilespmem:s16], [sflag:$0x3], $0x80, s8, s15, $0xb8;
	[tilespmem:$0x1E080] =	vst v63  }
0x3c: {  	_ =	swait.ge [sflag:s28], $0x3E80  }
0x3d: {  	[sflag:s28] =	ssyncset.done $0x0  }
0x3e: {  	s6 =	simm.s32 $0x180;
	[sflag:s28] =	ssyncadd.s32 $0xFFFFC180  }
0x3f: {  	[tilespmem:s22], [sflag:$0x2] =	stream.indirect.gather [hbm4b:s1+s15], $0x80, s6, s15, $0xb8;
	[tilespmem:$0x1E080] =	vst v63  }
0x40: {  	_ =	swait.ge [sflag:s23], $0x3E80  }
0x41: {  	[sflag:s23] =	ssyncset.done $0x0  }
0x42: {  	s8 =	simm.s32 $0x1580;
	[sflag:s23] =	ssyncadd.s32 $0xFFFFC180  }
0x43: {  	[spmem:s3] =	stream.indirect.scatter.add.f32 [tilespmem:s22], [sflag:$0x4], $0x80, s8, s15, $0xb8;
	[tilespmem:$0x1E080] =	vst v63  }
0x44: {  	_ =	swait.ge [sflag:s25], $0x3E80  }
0x45: {  	[sflag:s25] =	ssyncset.done $0x0  }
0x46: {  	s0 =	simm.s32 $0xFFFFBC00;
	s6 =	simm.s32 $0x200;
	[sflag:s25] =	ssyncadd.s32 $0xFFFFC180  }
.LBB2_2:
0x47: {  	[tilespmem:s16], [sflag:$0x1] =	stream.indirect.gather [hbm4b:s1+s15], $0x80, s6, s15, $0xb8;
	[tilespmem:$0x1E080] =	vst v63  }
0x48: {  	s6 =	smov.u32 s0  }
0x49: {  	p1 =	sne.s32 s0, $0xFFFFFC00;
	s0 =	sadd.s32 $0x400, s0;
	_ =	swait.ge [sflag:s20], $0x3E80  }
0x4a: {  	s6 =	sshra.s32 s6, $0x2;
	[sflag:s20] =	ssyncset.done $0x0  }
0x4b: {  	s8 =	sadd.s32 $0x2700, s6;
	[sflag:s20] =	ssyncadd.s32 $0xFFFFC180  }
0x4c: {  	[spmem:s3] =	stream.indirect.scatter.add.f32 [tilespmem:s16], [sflag:$0x3], $0x80, s8, s15, $0xb8;
	[tilespmem:$0x1E080] =	vst v63  }
0x4d: {  	_ =	swait.ge [sflag:s28], $0x3E80  }
0x4e: {  	[sflag:s28] =	ssyncset.done $0x0  }
0x4f: {  	s8 =	sadd.s32 $0x1380, s6;
	[sflag:s28] =	ssyncadd.s32 $0xFFFFC180  }
0x50: {  	[tilespmem:s22], [sflag:$0x2] =	stream.indirect.gather [hbm4b:s1+s15], $0x80, s8, s15, $0xb8;
	[tilespmem:$0x1E080] =	vst v63  }
0x51: {  	_ =	swait.ge [sflag:s23], $0x3E80  }
0x52: {  	[sflag:s23] =	ssyncset.done $0x0  }
.Ltmp0:
0x53: {  	s8 =	sadd.s32 $0x2780, s6;
	[sflag:s23] =	ssyncadd.s32 $0xFFFFC180;
	(pc) =	sbr.rel @p1 .LBB2_2-.Ltmp0, $4  }
0x54: {  	[spmem:s3] =	stream.indirect.scatter.add.f32 [tilespmem:s22], [sflag:$0x4], $0x80, s8, s15, $0xb8;
	[tilespmem:$0x1E080] =	vst v63  }
0x55: {  	_ =	swait.ge [sflag:s25], $0x3E80  }
0x56: {  	[sflag:s25] =	ssyncset.done $0x0  }
0x57: {  	s6 =	sadd.s32 $0x1400, s6;
	[sflag:s25] =	ssyncadd.s32 $0xFFFFC180  }
0x58: {  	[tilespmem:s16], [sflag:$0x1] =	stream.indirect.gather [hbm4b:s1+s15], $0x80, s6, s15, $0xb8;
	[tilespmem:$0x1E080] =	vst v63  }
0x59: {  	_ =	swait.ge [sflag:s20], $0x3E80  }
0x5a: {  	[sflag:s20] =	ssyncset.done $0x0  }
0x5b: {  	[sflag:s20] =	ssyncadd.s32 $0xFFFFC180  }
0x5c: {  	[spmem:s3] =	stream.indirect.scatter.add.f32 [tilespmem:s16], [sflag:$0x3], $0x80, s29, s15, $0xb8;
	[tilespmem:$0x1E080] =	vst v63  }
0x5d: {  	_ =	swait.ge [sflag:s28], $0x3E80  }
0x5e: {  	[sflag:s28] =	ssyncset.done $0x0  }
0x5f: {  	[sflag:s28] =	ssyncadd.s32 $0xFFFFC180  }
0x60: {  	[tilespmem:s22], [sflag:$0x2] =	stream.indirect.gather [hbm4b:s1+s15], $0x80, s30, s15, $0xb8;
	[tilespmem:$0x1E080] =	vst v63  }
0x61: {  	_ =	swait.ge [sflag:s23], $0x3E80  }
0x62: {  	[sflag:s23] =	ssyncset.done $0x0  }
0x63: {  	[sflag:s23] =	ssyncadd.s32 $0xFFFFC180  }
0x64: {  	[spmem:s3] =	stream.indirect.scatter.add.f32 [tilespmem:s22], [sflag:$0x4], $0x80, s31, s15, $0xb8;
	[tilespmem:$0x1E080] =	vst v63  }
0x65: {  	_ =	swait.ge [sflag:s25], $0x3E80  }
0x66: {  	[sflag:s25] =	ssyncset.done $0x0  }
0x67: {  	[sflag:s25] =	ssyncadd.s32 $0xFFFFC180  }
0x68: {  	_ =	swait.ge [sflag:s28], $0x3E80  }
0x69: {  	[sflag:s28] =	ssyncset.done $0x0  }
0x6a: {  	s0 =	rddreg [dreg:$0x5];
	[sflag:s28] =	ssyncadd.s32 $0xFFFFC180  }
0x6b: {  	[tilespmem:s4], [sflag:$0x5] =	stream.linear.gather [hbm4b:s0+s4], $0x1400, $0x38;
	[tilespmem:$0x1E080] =	vst v63  }
0x6c: {  	_ =	swait.ge [sflag:s13], $0x1400  }
0x6d: {  	[sflag:s13] =	ssyncset.done $0x0  }
0x6e: {  	[sflag:s13] =	ssyncadd.s32 $0xFFFFEC00  }
0x6f: {  	[tilespmem:s14], [sflag:$0x5] =	stream.linear.gather [hbm4b:s9+s4], $0x1400, $0x38;
	[tilespmem:$0x1E080] =	vst v63  }
0x70: {  	_ =	swait.ge [sflag:s13], $0x1400  }
0x71: {  	[sflag:s13] =	ssyncset.done $0x0  }
0x72: {  	[sflag:s13] =	ssyncadd.s32 $0xFFFFEC00  }
0x73: {  	[tilespmem:s16], [sflag:$0x1] =	stream.indirect.gather [hbm4b:s1+s15], $0x80, s4, s15, $0xb8;
	[tilespmem:$0x1E080] =	vst v63  }
0x74: {  	_ =	swait.ge [sflag:s20], $0x3E80  }
0x75: {  	[sflag:s20] =	ssyncset.done $0x0  }
0x76: {  	[sflag:s20] =	ssyncadd.s32 $0xFFFFC180  }
0x77: {  	[spmem:s3] =	stream.indirect.scatter.add.f32 [tilespmem:s16], [sflag:$0x3], $0x80, s14, s15, $0xb8;
	[tilespmem:$0x1E080] =	vst v63  }
0x78: {  	_ = 	snop  }
0x79: {  	[tilespmem:s22], [sflag:$0x2] =	stream.indirect.gather [hbm4b:s1+s15], $0x80, s21, s15, $0xb8;
	[tilespmem:$0x1E080] =	vst v63  }
0x7a: {  	_ =	swait.ge [sflag:s23], $0x3E80  }
0x7b: {  	[sflag:s23] =	ssyncset.done $0x0  }
0x7c: {  	[sflag:s23] =	ssyncadd.s32 $0xFFFFC180  }
0x7d: {  	[spmem:s3] =	stream.indirect.scatter.add.f32 [tilespmem:s22], [sflag:$0x4], $0x80, s24, s15, $0xb8;
	[tilespmem:$0x1E080] =	vst v63  }
0x7e: {  	_ =	swait.ge [sflag:s25], $0x3E80  }
0x7f: {  	[sflag:s25] =	ssyncset.done $0x0  }
0x80: {  	[sflag:s25] =	ssyncadd.s32 $0xFFFFC180  }
0x81: {  	[tilespmem:s16], [sflag:$0x1] =	stream.indirect.gather [hbm4b:s1+s15], $0x80, s26, s15, $0xb8;
	[tilespmem:$0x1E080] =	vst v63  }
0x82: {  	_ =	swait.ge [sflag:s20], $0x3E80  }
0x83: {  	[sflag:s20] =	ssyncset.done $0x0  }
0x84: {  	s8 =	simm.s32 $0x1500;
	[sflag:s20] =	ssyncadd.s32 $0xFFFFC180  }
0x85: {  	[spmem:s3] =	stream.indirect.scatter.add.f32 [tilespmem:s16], [sflag:$0x3], $0x80, s8, s15, $0xb8;
	[tilespmem:$0x1E080] =	vst v63  }
0x86: {  	_ =	swait.ge [sflag:s28], $0x3E80  }
0x87: {  	[sflag:s28] =	ssyncset.done $0x0  }
0x88: {  	s6 =	simm.s32 $0x180;
	[sflag:s28] =	ssyncadd.s32 $0xFFFFC180  }
0x89: {  	[tilespmem:s22], [sflag:$0x2] =	stream.indirect.gather [hbm4b:s1+s15], $0x80, s6, s15, $0xb8;
	[tilespmem:$0x1E080] =	vst v63  }
0x8a: {  	_ =	swait.ge [sflag:s23], $0x3E80  }
0x8b: {  	[sflag:s23] =	ssyncset.done $0x0  }
0x8c: {  	s8 =	simm.s32 $0x1580;
	[sflag:s23] =	ssyncadd.s32 $0xFFFFC180  }
0x8d: {  	[spmem:s3] =	stream.indirect.scatter.add.f32 [tilespmem:s22], [sflag:$0x4], $0x80, s8, s15, $0xb8;
	[tilespmem:$0x1E080] =	vst v63  }
0x8e: {  	_ =	swait.ge [sflag:s25], $0x3E80  }
0x8f: {  	[sflag:s25] =	ssyncset.done $0x0  }
0x90: {  	s0 =	simm.s32 $0xFFFFBC00;
	s6 =	simm.s32 $0x200;
	[sflag:s25] =	ssyncadd.s32 $0xFFFFC180  }
.LBB2_4:
0x91: {  	[tilespmem:s16], [sflag:$0x1] =	stream.indirect.gather [hbm4b:s1+s15], $0x80, s6, s15, $0xb8;
	[tilespmem:$0x1E080] =	vst v63  }
0x92: {  	s6 =	smov.u32 s0  }
0x93: {  	p1 =	sne.s32 s0, $0xFFFFFC00;
	s0 =	sadd.s32 $0x400, s0;
	_ =	swait.ge [sflag:s20], $0x3E80  }
0x94: {  	s6 =	sshra.s32 s6, $0x2;
	[sflag:s20] =	ssyncset.done $0x0  }
0x95: {  	s8 =	sadd.s32 $0x2700, s6;
	[sflag:s20] =	ssyncadd.s32 $0xFFFFC180  }
0x96: {  	[spmem:s3] =	stream.indirect.scatter.add.f32 [tilespmem:s16], [sflag:$0x3], $0x80, s8, s15, $0xb8;
	[tilespmem:$0x1E080] =	vst v63  }
0x97: {  	_ =	swait.ge [sflag:s28], $0x3E80  }
0x98: {  	[sflag:s28] =	ssyncset.done $0x0  }
0x99: {  	s8 =	sadd.s32 $0x1380, s6;
	[sflag:s28] =	ssyncadd.s32 $0xFFFFC180  }
0x9a: {  	[tilespmem:s22], [sflag:$0x2] =	stream.indirect.gather [hbm4b:s1+s15], $0x80, s8, s15, $0xb8;
	[tilespmem:$0x1E080] =	vst v63  }
0x9b: {  	_ =	swait.ge [sflag:s23], $0x3E80  }
0x9c: {  	[sflag:s23] =	ssyncset.done $0x0  }
.Ltmp1:
0x9d: {  	s8 =	sadd.s32 $0x2780, s6;
	[sflag:s23] =	ssyncadd.s32 $0xFFFFC180;
	(pc) =	sbr.rel @p1 .LBB2_4-.Ltmp1, $4  }
0x9e: {  	[spmem:s3] =	stream.indirect.scatter.add.f32 [tilespmem:s22], [sflag:$0x4], $0x80, s8, s15, $0xb8;
	[tilespmem:$0x1E080] =	vst v63  }
0x9f: {  	_ =	swait.ge [sflag:s25], $0x3E80  }
0xa0: {  	[sflag:s25] =	ssyncset.done $0x0  }
0xa1: {  	s6 =	sadd.s32 $0x1400, s6;
	[sflag:s25] =	ssyncadd.s32 $0xFFFFC180  }
0xa2: {  	[tilespmem:s16], [sflag:$0x1] =	stream.indirect.gather [hbm4b:s1+s15], $0x80, s6, s15, $0xb8;
	[tilespmem:$0x1E080] =	vst v63  }
0xa3: {  	_ =	swait.ge [sflag:s20], $0x3E80  }
0xa4: {  	[sflag:s20] =	ssyncset.done $0x0  }
0xa5: {  	[sflag:s20] =	ssyncadd.s32 $0xFFFFC180  }
0xa6: {  	[spmem:s3] =	stream.indirect.scatter.add.f32 [tilespmem:s16], [sflag:$0x3], $0x80, s29, s15, $0xb8;
	[tilespmem:$0x1E080] =	vst v63  }
0xa7: {  	_ =	swait.ge [sflag:s28], $0x3E80  }
0xa8: {  	[sflag:s28] =	ssyncset.done $0x0  }
0xa9: {  	[sflag:s28] =	ssyncadd.s32 $0xFFFFC180  }
0xaa: {  	[tilespmem:s22], [sflag:$0x2] =	stream.indirect.gather [hbm4b:s1+s15], $0x80, s30, s15, $0xb8;
	[tilespmem:$0x1E080] =	vst v63  }
0xab: {  	_ =	swait.ge [sflag:s23], $0x3E80  }
0xac: {  	[sflag:s23] =	ssyncset.done $0x0  }
0xad: {  	[sflag:s23] =	ssyncadd.s32 $0xFFFFC180  }
0xae: {  	[spmem:s3] =	stream.indirect.scatter.add.f32 [tilespmem:s22], [sflag:$0x4], $0x80, s31, s15, $0xb8;
	[tilespmem:$0x1E080] =	vst v63  }
0xaf: {  	_ =	swait.ge [sflag:s25], $0x3E80  }
0xb0: {  	[sflag:s25] =	ssyncset.done $0x0  }
0xb1: {  	[sflag:s25] =	ssyncadd.s32 $0xFFFFC180  }
0xb2: {  	_ =	swait.ge [sflag:s28], $0x3E80  }
0xb3: {  	[sflag:s28] =	ssyncset.done $0x0  }
0xb4: {  	[sflag:s28] =	ssyncadd.s32 $0xFFFFC180  }
0xb5: {  	s0 =	simm.s32 @p0 $0x1FC5;
	[bflag:$0x0] =	sbarrier.arrive $0xFFFF  }
0xb6: {  	[hbm:s11], [sflag:s0] =	dma.local @p0 [spmem:s17], $0x2800  }
0xb7: {  	s0 =	simm.s32 @p0 $0x5  }
0xb8: {  	s2 =	sadd.s32 $0x1, s2;
	_ =	swait.ge @p0 [sflag:s0], $0x2800  }
0xb9: {  	p1 =	sne.s32 s2, s12;
	[sflag:s0] =	ssyncset.done @p0 $0x0  }
.Ltmp2:
0xba: {  	[sflag:s0] =	ssyncadd.s32 @p0 $0xFFFFD800;
	s0 =	simm.s32 @!p0 $0x5;
	(pc) =	sbr.rel @p1 .LBB2_1-.Ltmp2, $4  }
0xbb: {  	[hbm:s10], [sflag:s18] =	dma.local @!p0 [spmem:s19], $0x2700  }
0xbc: {  	_ =	swait.ge @!p0 [sflag:s0], $0x2700  }
0xbd: {  	[sflag:s0] =	ssyncset.done @!p0 $0x0  }
0xbe: {  	[sflag:s0] =	ssyncadd.s32 @!p0 $0xFFFFD900  }
0xbf: {  	_ =	sfence.sel $0x180000  }
0xc0: {  	[bflag:$0x0] =	sbarrier.arrive $0xFFFF  }
0xc1: {  	_ =	strace $0x90000047  }
0xc2: {  	s0 =	stileid.u32;
	[bflag:$0x2] =	sbarrier.arrive $0xFFFF  }
0xc3: {  	p0 =	sne.s32 s0, $0x0;
	s0 =	rddreg [dreg:$0x3]  }
0xc4: {  	s0 =	sadd.s32 @!p0 $0x100000, s0  }
0xc5: {  	[sflag:s0] =	ssyncadd.tile.s32 @!p0 $0x1;
	_ =	shalt  }
.Lfunc_end2:
_tile_overlayer_lowered:
.L_overlay_start_2:
0xc6: {  	(tag) =	ssettag $0x2  }
0xc7: {  	s0 =	rddreg [dreg:$0x0];
	s2 =	stileid.u32  }
0xc8: {  	s1 =	rddreg [dreg:$0x1];
	p0 =	sne.s32 s2, $0x0  }
0xc9: {  	s3 =	rddreg [dreg:$0x2];
	[bflag:$0x3] =	sbarrier.arrive $0xFFFF;
	s2 =	simm.s32 @!p0 $0x1C05  }
0xca: {  	[timem:s3], [sflag:s2] =	dma.local @!p0 [hbm:s0], s1  }
0xcb: {  	s0 =	simm.s32 @!p0 $0x5  }
0xcc: {  	_ =	swait.ge @!p0 [sflag:s0], s1  }
0xcd: {  	s1 =	ssub.s32 @!p0 $0x0, s1;
	[sflag:s0] =	ssyncset.done @!p0 $0x0  }
0xce: {  	[sflag:s0] =	ssyncadd.s32 @!p0 s1  }
0xcf: {  	[bflag:$0x3] =	sbarrier.arrive $0xFFFF  }
0xd0: {  	_ =	shalt  }

</sc_bundles>
